<compile_context>
chip_gen: v7x
topology: tpu7x:2x2x1
jax: 0.10.2.dev20260603
libtpu: 0.0.44.dev20260713+nightly
codegen_flags: <defaults>
</compile_context>

<pallas_src>
import functools

import jax
import jax.numpy as jnp
from jax import lax
from jax.experimental import pallas as pl
from jax.experimental.pallas import tpu as pltpu
from jax.experimental.pallas import tpu_sc as plsc

B, LF, LT, D, FS = 1024, 20, 30, 300, 2048
L = LF + LT
V = 100000
DP = 384
NTOK = B * LT
NC, NS = 2, 16
NW = NC * NS
ROWS_W = NTOK // NW
CHUNK = 120
NCH = ROWS_W // CHUNK

VB = 4096


def _tp_body(t_ref, o_ref):
    o_ref[:, :D] = jnp.transpose(t_ref[...])
    o_ref[:, D:] = jnp.zeros((o_ref.shape[0], DP - D), jnp.float32)


def _tc_transpose_pad(table_t):
    return pl.pallas_call(
        _tp_body,
        grid=(pl.cdiv(V, VB),),
        in_specs=[pl.BlockSpec((D, VB), lambda i: (0, i))],
        out_specs=pl.BlockSpec((VB, DP), lambda i: (i, 0)),
        out_shape=jax.ShapeDtypeStruct((V, DP), jnp.float32),
    )(table_t)


def _sc_gather(idx3, tab_rm):
    mesh = plsc.VectorSubcoreMesh(core_axis_name="c", subcore_axis_name="s")

    @functools.partial(
        pl.kernel,
        out_type=jax.ShapeDtypeStruct((NTOK, DP), jnp.float32),
        mesh=mesh,
        scratch_types=[
            pltpu.VMEM((NCH, CHUNK), jnp.int32),
            pltpu.VMEM((2, CHUNK, DP), jnp.float32),
            pltpu.SemaphoreType.DMA,
            pltpu.SemaphoreType.DMA,
        ],
    )
    def k(idx_hbm, tab_hbm, out_hbm, idx_v, buf_v, gsem, osem):
        wid = lax.axis_index("s") * NC + lax.axis_index("c")
        pltpu.sync_copy(idx_hbm.at[wid], idx_v)
        base = wid * ROWS_W

        def gather(c, slot):
            return pltpu.async_copy(
                tab_hbm.at[idx_v.at[c]], buf_v.at[slot], gsem)

        def put(c, slot):
            return pltpu.async_copy(
                buf_v.at[slot], out_hbm.at[pl.ds(base + c * CHUNK, CHUNK)],
                osem)

        gather(0, 0).wait()
        for c in range(NCH):
            if c + 1 < NCH:
                g = gather(c + 1, (c + 1) % 2)
            p = put(c, c % 2)
            if c + 1 < NCH:
                g.wait()
            p.wait()

    return k(idx3, tab_rm)


BBL = 1024


def _tc_body(frames_ref, w_ref, b_ref, tok_ref, pos_ref, seg_ref, se_ref,
             g_ref, bt_ref, out_ref):
    l = pl.program_id(0)

    def tail(emb):
        emb = emb + pos_ref[...].reshape(D, 1)
        sg = seg_ref[...].reshape(1, BBL)
        se = se_ref[...]
        emb = emb + jnp.where(sg == 0, se[:, 0:1],
                              jnp.where(sg == 1, se[:, 1:2], se[:, 2:3]))
        mean = jnp.mean(emb, axis=0, keepdims=True)
        cen = emb - mean
        var = jnp.mean(cen * cen, axis=0, keepdims=True)
        out_ref[...] = ((cen * lax.rsqrt(var + 1e-5) * g_ref[...]
                         + bt_ref[...])[None])

    @pl.when(l < LF)
    def _():
        f = frames_ref[...].astype(jnp.bfloat16).reshape(BBL, FS)
        emb = lax.dot_general(w_ref[...], f, (((1,), (1,)), ((), ())),
                              preferred_element_type=jnp.float32)
        tail(emb + b_ref[...])

    @pl.when(l >= LF)
    def _():
        t = jnp.transpose(tok_ref[...].reshape(BBL, DP))
        tail(t[:D])


def kernel(x, seg, frames_feature, tok_embed, pos_embed, seg_embed, W, b,
           gamma, beta):
    table_t = jnp.transpose(tok_embed)
    frames_t = jnp.transpose(frames_feature, (1, 0, 2))
    seg_t3 = jnp.transpose(seg).reshape(L, 1, B)
    idx3 = jnp.transpose(x).reshape(NW, NCH, CHUNK)
    w_t = jnp.transpose(W).astype(jnp.bfloat16)
    pos_3 = pos_embed[:L].reshape(L, D, 1)
    se_t = jnp.pad(jnp.transpose(seg_embed), ((0, 0), (0, 5)))
    b_c = b.reshape(D, 1)
    g_c = gamma.reshape(D, 1)
    bt_c = beta.reshape(D, 1)

    tab_rm = _tc_transpose_pad(table_t)
    tok = _sc_gather(idx3, tab_rm).reshape(LT, B, DP)

    out_t = pl.pallas_call(
        _tc_body,
        grid=(L, B // BBL),
        in_specs=[
            pl.BlockSpec((1, BBL, FS),
                         lambda l, bb: (jnp.minimum(l, LF - 1), bb, 0)),
            pl.BlockSpec((D, FS), lambda l, bb: (0, 0)),
            pl.BlockSpec((D, 1), lambda l, bb: (0, 0)),
            pl.BlockSpec((1, BBL, DP),
                         lambda l, bb: (jnp.maximum(l - LF, 0), bb, 0)),
            pl.BlockSpec((1, D, 1), lambda l, bb: (l, 0, 0)),
            pl.BlockSpec((1, 1, BBL), lambda l, bb: (l, 0, bb)),
            pl.BlockSpec((D, 8), lambda l, bb: (0, 0)),
            pl.BlockSpec((D, 1), lambda l, bb: (0, 0)),
            pl.BlockSpec((D, 1), lambda l, bb: (0, 0)),
        ],
        out_specs=pl.BlockSpec((1, D, BBL), lambda l, bb: (l, 0, bb)),
        out_shape=jax.ShapeDtypeStruct((L, D, B), jnp.float32),
    )(frames_t, w_t, b_c, tok, pos_3, seg_t3, se_t, g_c, bt_c)
    return jnp.transpose(out_t, (2, 0, 1))

# --- scband reference (transcript-rebuilt; emitter-appended) ---
"""Pipeline reference for scband-embedding-2568390443447 (READ-ONLY COPY).

The authoritative reference and input builder live on the scoring server;
editing this copy changes nothing except your own understanding.
"""

import jax, jax.numpy as jnp
import numpy as np

B = 1024
LF = 20   # frame positions
LT = 30   # token positions
L = LF + LT
D = 300   # d_model (fixed in module)
FS = 2048 # feature_size
V = 100000
MAXLEN = 100
NSEG = 3


def setup_inputs(seed: int = 0) -> dict:
    key = jax.random.key(seed)
    ks = jax.random.split(key, 10)
    x = jax.random.randint(ks[0], (B, LT), 0, V, dtype=jnp.int32)
    seg = jax.random.randint(ks[1], (B, L), 0, NSEG, dtype=jnp.int32)
    frames_feature = jax.random.normal(ks[2], (B, LF, FS), dtype=jnp.float32)
    tok_embed = jax.random.normal(ks[3], (V, D), dtype=jnp.float32)
    pos_embed = jax.random.normal(ks[4], (MAXLEN, D), dtype=jnp.float32)
    seg_embed = jax.random.normal(ks[5], (NSEG, D), dtype=jnp.float32)
    W = jax.random.normal(ks[6], (FS, D), dtype=jnp.float32) / np.sqrt(FS)
    b = jnp.zeros((D,), dtype=jnp.float32)
    gamma = jnp.ones((D,), dtype=jnp.float32)
    beta = jnp.zeros((D,), dtype=jnp.float32)
    return {"x": x, "seg": seg, "frames_feature": frames_feature,
            "tok_embed": tok_embed, "pos_embed": pos_embed, "seg_embed": seg_embed,
            "W": W, "b": b, "gamma": gamma, "beta": beta}


def _layernorm(x, gamma, beta, eps=1e-5):
    mean = jnp.mean(x, axis=-1, keepdims=True)
    var = jnp.mean(jnp.square(x - mean), axis=-1, keepdims=True)
    return (x - mean) / jnp.sqrt(var + eps) * gamma + beta


def reference(x, seg, frames_feature, tok_embed, pos_embed, seg_embed, W, b, gamma, beta):
    # feature_dim2dmodel: Linear(feature_size -> d_model)
    mapped = jnp.einsum('blf,fd->bld', frames_feature, W) + b
    # token embedding gather
    tok = jnp.take(tok_embed, x, axis=0)
    embedding = jnp.concatenate([mapped, tok], axis=1)
    seq_len = seg.shape[1]
    pos = jnp.arange(seq_len, dtype=jnp.int32)[None, :]
    embedding = embedding + jnp.take(pos_embed, pos, axis=0)
    embedding = embedding + jnp.take(seg_embed, seg, axis=0)
    return _layernorm(embedding, gamma, beta)

if __name__ == "__main__":
    import jax
    _d = setup_inputs()
    print(jax.jit(kernel)(*tuple(_d.values())))

</pallas_src>

<mosaic_0001>
#map = affine_map<(d0, d1) -> (0, 0, 0)>
#map1 = affine_map<(d0, d1) -> (0, 0)>
module attributes {stable_mosaic.version = 14 : i64} {
  func.func @k(%arg0: i32, %arg1: i32, %arg2: memref<32x8x120xi32, #tpu.memory_space<hbm>>, %arg3: memref<100000x384xf32, #tpu.memory_space<hbm>>, %arg4: memref<30720x384xf32, #tpu.memory_space<hbm>>, %arg5: memref<8x120xi32, #tpu.memory_space<vmem>>, %arg6: memref<2x120x384xf32, #tpu.memory_space<vmem>>, %arg7: memref<!tpu.dma_semaphore, #tpu.memory_space<semaphore_mem>>, %arg8: memref<!tpu.dma_semaphore, #tpu.memory_space<semaphore_mem>>) attributes {dimension_semantics = [#tpu.dimension_semantics<core_parallel>, #tpu.dimension_semantics<subcore_parallel>], iteration_bounds = array<i64: 2, 16>, scalar_prefetch = 0 : i64, scratch_operands = 4 : i64, tpu.core_type = #tpu.core_type<sc_vector_subcore>, window_params = [{transform_indices = #map}, {transform_indices = #map1}, {transform_indices = #map1}]} {
    %mul3A = arith.constant 2 : i32
    %mul3A_0 = arith.muli %arg1, %mul3A : i32
    %add3A = arith.addi %mul3A_0, %arg0 : i32
    "tpu.region"() ({
      %run_scoped3A = tpu.sem_alloc : memref<!tpu.dma_semaphore, #tpu.memory_space<semaphore_mem>>
      %dma_start3A_417 = arith.constant 0 : i32
      %dma_start3A_418 = arith.constant 0 : i32
      %dma_start3A_419 = tpu.memref_slice %arg2[%add3A, %dma_start3A_417, %dma_start3A_418] : memref<32x8x120xi32, #tpu.memory_space<hbm>> -> memref<1x8x120xi32, #tpu.memory_space<hbm>>
      %dma_start3A_420 = tpu.memref_squeeze %dma_start3A_419 : memref<1x8x120xi32, #tpu.memory_space<hbm>> -> memref<8x120xi32, #tpu.memory_space<hbm>>
      %dma_start3A_421 = arith.constant 0 : i32
      %dma_start3A_422 = arith.constant 0 : i32
      %dma_start3A_423 = tpu.memref_slice %arg2[%add3A, %dma_start3A_421, %dma_start3A_422] : memref<32x8x120xi32, #tpu.memory_space<hbm>> -> memref<1x8x120xi32, #tpu.memory_space<hbm>>
      %dma_start3A_424 = tpu.memref_squeeze %dma_start3A_423 : memref<1x8x120xi32, #tpu.memory_space<hbm>> -> memref<8x120xi32, #tpu.memory_space<hbm>>
      tpu.enqueue_dma source(%dma_start3A_424 : memref<8x120xi32, #tpu.memory_space<hbm>>) target(%arg5 : memref<8x120xi32, #tpu.memory_space<vmem>>) target_semaphore(%run_scoped3A : memref<!tpu.dma_semaphore, #tpu.memory_space<semaphore_mem>>)
      %dma_wait3A_425 = arith.constant 0 : i32
      %dma_wait3A_426 = arith.constant 0 : i32
      %dma_wait3A_427 = tpu.memref_slice %arg2[%add3A, %dma_wait3A_425, %dma_wait3A_426] : memref<32x8x120xi32, #tpu.memory_space<hbm>> -> memref<1x8x120xi32, #tpu.memory_space<hbm>>
      %dma_wait3A_428 = tpu.memref_squeeze %dma_wait3A_427 : memref<1x8x120xi32, #tpu.memory_space<hbm>> -> memref<8x120xi32, #tpu.memory_space<hbm>>
      %dma_wait3A_429 = arith.constant 0 : i32
      %dma_wait3A_430 = arith.constant 0 : i32
      %dma_wait3A_431 = tpu.memref_slice %arg2[%add3A, %dma_wait3A_429, %dma_wait3A_430] : memref<32x8x120xi32, #tpu.memory_space<hbm>> -> memref<1x8x120xi32, #tpu.memory_space<hbm>>
      %dma_wait3A_432 = tpu.memref_squeeze %dma_wait3A_431 : memref<1x8x120xi32, #tpu.memory_space<hbm>> -> memref<8x120xi32, #tpu.memory_space<hbm>>
      tpu.wait_dma2 semaphore(%run_scoped3A : memref<!tpu.dma_semaphore, #tpu.memory_space<semaphore_mem>>) src(%dma_wait3A_432 : memref<8x120xi32, #tpu.memory_space<hbm>>) dst(%arg5 : memref<8x120xi32, #tpu.memory_space<vmem>>)
      tpu.yield
    }) : () -> ()
    %mul3A_1 = arith.constant 960 : i32
    %mul3A_2 = arith.muli %add3A, %mul3A_1 : i32
    %dma_start3A = arith.constant 0 : i32
    %dma_start3A_3 = arith.constant 0 : i32
    %dma_start3A_4 = arith.constant 0 : i32
    %dma_start3A_5 = arith.constant 0 : i32
    %dma_start3A_6 = tpu.memref_slice %arg6[%dma_start3A_3, %dma_start3A_4, %dma_start3A_5] : memref<2x120x384xf32, #tpu.memory_space<vmem>> -> memref<1x120x384xf32, #tpu.memory_space<vmem>>
    %dma_start3A_7 = tpu.memref_squeeze %dma_start3A_6 : memref<1x120x384xf32, #tpu.memory_space<vmem>> -> memref<120x384xf32, #tpu.memory_space<vmem>>
    %dma_start3A_8 = arith.constant 0 : i32
    %dma_start3A_9 = tpu.memref_slice %arg5[%dma_start3A, %dma_start3A_8] : memref<8x120xi32, #tpu.memory_space<vmem>> -> memref<1x120xi32, #tpu.memory_space<vmem>>
    %dma_start3A_10 = tpu.memref_squeeze %dma_start3A_9 : memref<1x120xi32, #tpu.memory_space<vmem>> -> memref<120xi32, #tpu.memory_space<vmem>>
    %dma_start3A_11 = arith.constant 0 : i32
    %dma_start3A_12 = arith.constant 0 : i32
    %dma_start3A_13 = tpu.memref_slice %arg3[%dma_start3A_11, %dma_start3A_12] : memref<100000x384xf32, #tpu.memory_space<hbm>> -> memref<100000x384xf32, #tpu.memory_space<hbm>>
    tpu.enqueue_indirect_dma source(%dma_start3A_13 : memref<100000x384xf32, #tpu.memory_space<hbm>>) target(%dma_start3A_7 : memref<120x384xf32, #tpu.memory_space<vmem>>) offsets(%dma_start3A_10 : memref<120xi32, #tpu.memory_space<vmem>>) semaphore(%arg7 : memref<!tpu.dma_semaphore, #tpu.memory_space<semaphore_mem>>)
    %dma_wait3A = arith.constant 0 : i32
    %dma_wait3A_14 = arith.constant 0 : i32
    %dma_wait3A_15 = arith.constant 0 : i32
    %dma_wait3A_16 = arith.constant 0 : i32
    %dma_wait3A_17 = tpu.memref_slice %arg6[%dma_wait3A_14, %dma_wait3A_15, %dma_wait3A_16] : memref<2x120x384xf32, #tpu.memory_space<vmem>> -> memref<1x120x384xf32, #tpu.memory_space<vmem>>
    %dma_wait3A_18 = tpu.memref_squeeze %dma_wait3A_17 : memref<1x120x384xf32, #tpu.memory_space<vmem>> -> memref<120x384xf32, #tpu.memory_space<vmem>>
    %dma_wait3A_19 = arith.constant 0 : i32
    %dma_wait3A_20 = tpu.memref_slice %arg5[%dma_wait3A, %dma_wait3A_19] : memref<8x120xi32, #tpu.memory_space<vmem>> -> memref<1x120xi32, #tpu.memory_space<vmem>>
    %dma_wait3A_21 = tpu.memref_squeeze %dma_wait3A_20 : memref<1x120xi32, #tpu.memory_space<vmem>> -> memref<120xi32, #tpu.memory_space<vmem>>
    %dma_wait3A_22 = arith.constant 0 : i32
    %dma_wait3A_23 = arith.constant 0 : i32
    %dma_wait3A_24 = tpu.memref_slice %arg3[%dma_wait3A_22, %dma_wait3A_23] : memref<100000x384xf32, #tpu.memory_space<hbm>> -> memref<100000x384xf32, #tpu.memory_space<hbm>>
    tpu.wait_indirect_dma semaphore(%arg7 : memref<!tpu.dma_semaphore, #tpu.memory_space<semaphore_mem>>) src(%dma_wait3A_24 : memref<100000x384xf32, #tpu.memory_space<hbm>>) dst(%dma_wait3A_18 : memref<120x384xf32, #tpu.memory_space<vmem>>)
    %dma_start3A_25 = arith.constant 1 : i32
    %dma_start3A_26 = arith.constant 1 : i32
    %dma_start3A_27 = arith.constant 0 : i32
    %dma_start3A_28 = arith.constant 0 : i32
    %dma_start3A_29 = tpu.memref_slice %arg6[%dma_start3A_26, %dma_start3A_27, %dma_start3A_28] : memref<2x120x384xf32, #tpu.memory_space<vmem>> -> memref<1x120x384xf32, #tpu.memory_space<vmem>>
    %dma_start3A_30 = tpu.memref_squeeze %dma_start3A_29 : memref<1x120x384xf32, #tpu.memory_space<vmem>> -> memref<120x384xf32, #tpu.memory_space<vmem>>
    %dma_start3A_31 = arith.constant 0 : i32
    %dma_start3A_32 = tpu.memref_slice %arg5[%dma_start3A_25, %dma_start3A_31] : memref<8x120xi32, #tpu.memory_space<vmem>> -> memref<1x120xi32, #tpu.memory_space<vmem>>
    %dma_start3A_33 = tpu.memref_squeeze %dma_start3A_32 : memref<1x120xi32, #tpu.memory_space<vmem>> -> memref<120xi32, #tpu.memory_space<vmem>>
    %dma_start3A_34 = arith.constant 0 : i32
    %dma_start3A_35 = arith.constant 0 : i32
    %dma_start3A_36 = tpu.memref_slice %arg3[%dma_start3A_34, %dma_start3A_35] : memref<100000x384xf32, #tpu.memory_space<hbm>> -> memref<100000x384xf32, #tpu.memory_space<hbm>>
    tpu.enqueue_indirect_dma source(%dma_start3A_36 : memref<100000x384xf32, #tpu.memory_space<hbm>>) target(%dma_start3A_30 : memref<120x384xf32, #tpu.memory_space<vmem>>) offsets(%dma_start3A_33 : memref<120xi32, #tpu.memory_space<vmem>>) semaphore(%arg7 : memref<!tpu.dma_semaphore, #tpu.memory_space<semaphore_mem>>)
    %add3A_37 = arith.constant 0 : i32
    %add3A_38 = arith.addi %mul3A_2, %add3A_37 : i32
    %dma_start3A_39 = arith.constant 0 : i32
    %dma_start3A_40 = arith.constant 0 : i32
    %dma_start3A_41 = arith.constant 0 : i32
    %dma_start3A_42 = tpu.memref_slice %arg6[%dma_start3A_39, %dma_start3A_40, %dma_start3A_41] : memref<2x120x384xf32, #tpu.memory_space<vmem>> -> memref<1x120x384xf32, #tpu.memory_space<vmem>>
    %dma_start3A_43 = tpu.memref_squeeze %dma_start3A_42 : memref<1x120x384xf32, #tpu.memory_space<vmem>> -> memref<120x384xf32, #tpu.memory_space<vmem>>
    %dma_start3A_44 = arith.constant 0 : i32
    %dma_start3A_45 = tpu.memref_slice %arg4[%add3A_38, %dma_start3A_44] : memref<30720x384xf32, #tpu.memory_space<hbm>> -> memref<120x384xf32, #tpu.memory_space<hbm>>
    %dma_start3A_46 = arith.constant 0 : i32
    %dma_start3A_47 = tpu.memref_slice %arg4[%add3A_38, %dma_start3A_46] : memref<30720x384xf32, #tpu.memory_space<hbm>> -> memref<120x384xf32, #tpu.memory_space<hbm>>
    %dma_start3A_48 = arith.constant 0 : i32
    %dma_start3A_49 = arith.constant 0 : i32
    %dma_start3A_50 = tpu.memref_slice %arg6[%dma_start3A_39, %dma_start3A_48, %dma_start3A_49] : memref<2x120x384xf32, #tpu.memory_space<vmem>> -> memref<1x120x384xf32, #tpu.memory_space<vmem>>
    %dma_start3A_51 = tpu.memref_squeeze %dma_start3A_50 : memref<1x120x384xf32, #tpu.memory_space<vmem>> -> memref<120x384xf32, #tpu.memory_space<vmem>>
    tpu.enqueue_dma source(%dma_start3A_51 : memref<120x384xf32, #tpu.memory_space<vmem>>) target(%dma_start3A_47 : memref<120x384xf32, #tpu.memory_space<hbm>>) target_semaphore(%arg8 : memref<!tpu.dma_semaphore, #tpu.memory_space<semaphore_mem>>)
    %dma_wait3A_52 = arith.constant 1 : i32
    %dma_wait3A_53 = arith.constant 1 : i32
    %dma_wait3A_54 = arith.constant 0 : i32
    %dma_wait3A_55 = arith.constant 0 : i32
    %dma_wait3A_56 = tpu.memref_slice %arg6[%dma_wait3A_53, %dma_wait3A_54, %dma_wait3A_55] : memref<2x120x384xf32, #tpu.memory_space<vmem>> -> memref<1x120x384xf32, #tpu.memory_space<vmem>>
    %dma_wait3A_57 = tpu.memref_squeeze %dma_wait3A_56 : memref<1x120x384xf32, #tpu.memory_space<vmem>> -> memref<120x384xf32, #tpu.memory_space<vmem>>
    %dma_wait3A_58 = arith.constant 0 : i32
    %dma_wait3A_59 = tpu.memref_slice %arg5[%dma_wait3A_52, %dma_wait3A_58] : memref<8x120xi32, #tpu.memory_space<vmem>> -> memref<1x120xi32, #tpu.memory_space<vmem>>
    %dma_wait3A_60 = tpu.memref_squeeze %dma_wait3A_59 : memref<1x120xi32, #tpu.memory_space<vmem>> -> memref<120xi32, #tpu.memory_space<vmem>>
    %dma_wait3A_61 = arith.constant 0 : i32
    %dma_wait3A_62 = arith.constant 0 : i32
    %dma_wait3A_63 = tpu.memref_slice %arg3[%dma_wait3A_61, %dma_wait3A_62] : memref<100000x384xf32, #tpu.memory_space<hbm>> -> memref<100000x384xf32, #tpu.memory_space<hbm>>
    tpu.wait_indirect_dma semaphore(%arg7 : memref<!tpu.dma_semaphore, #tpu.memory_space<semaphore_mem>>) src(%dma_wait3A_63 : memref<100000x384xf32, #tpu.memory_space<hbm>>) dst(%dma_wait3A_57 : memref<120x384xf32, #tpu.memory_space<vmem>>)
    %dma_wait3A_64 = arith.constant 0 : i32
    %dma_wait3A_65 = arith.constant 0 : i32
    %dma_wait3A_66 = arith.constant 0 : i32
    %dma_wait3A_67 = tpu.memref_slice %arg6[%dma_wait3A_64, %dma_wait3A_65, %dma_wait3A_66] : memref<2x120x384xf32, #tpu.memory_space<vmem>> -> memref<1x120x384xf32, #tpu.memory_space<vmem>>
    %dma_wait3A_68 = tpu.memref_squeeze %dma_wait3A_67 : memref<1x120x384xf32, #tpu.memory_space<vmem>> -> memref<120x384xf32, #tpu.memory_space<vmem>>
    %dma_wait3A_69 = arith.constant 0 : i32
    %dma_wait3A_70 = tpu.memref_slice %arg4[%add3A_38, %dma_wait3A_69] : memref<30720x384xf32, #tpu.memory_space<hbm>> -> memref<120x384xf32, #tpu.memory_space<hbm>>
    %dma_wait3A_71 = arith.constant 0 : i32
    %dma_wait3A_72 = tpu.memref_slice %arg4[%add3A_38, %dma_wait3A_71] : memref<30720x384xf32, #tpu.memory_space<hbm>> -> memref<120x384xf32, #tpu.memory_space<hbm>>
    %dma_wait3A_73 = arith.constant 0 : i32
    %dma_wait3A_74 = arith.constant 0 : i32
    %dma_wait3A_75 = tpu.memref_slice %arg6[%dma_wait3A_64, %dma_wait3A_73, %dma_wait3A_74] : memref<2x120x384xf32, #tpu.memory_space<vmem>> -> memref<1x120x384xf32, #tpu.memory_space<vmem>>
    %dma_wait3A_76 = tpu.memref_squeeze %dma_wait3A_75 : memref<1x120x384xf32, #tpu.memory_space<vmem>> -> memref<120x384xf32, #tpu.memory_space<vmem>>
    tpu.wait_dma2 semaphore(%arg8 : memref<!tpu.dma_semaphore, #tpu.memory_space<semaphore_mem>>) src(%dma_wait3A_76 : memref<120x384xf32, #tpu.memory_space<vmem>>) dst(%dma_wait3A_72 : memref<120x384xf32, #tpu.memory_space<hbm>>)
    %dma_start3A_77 = arith.constant 2 : i32
    %dma_start3A_78 = arith.constant 0 : i32
    %dma_start3A_79 = arith.constant 0 : i32
    %dma_start3A_80 = arith.constant 0 : i32
    %dma_start3A_81 = tpu.memref_slice %arg6[%dma_start3A_78, %dma_start3A_79, %dma_start3A_80] : memref<2x120x384xf32, #tpu.memory_space<vmem>> -> memref<1x120x384xf32, #tpu.memory_space<vmem>>
    %dma_start3A_82 = tpu.memref_squeeze %dma_start3A_81 : memref<1x120x384xf32, #tpu.memory_space<vmem>> -> memref<120x384xf32, #tpu.memory_space<vmem>>
    %dma_start3A_83 = arith.constant 0 : i32
    %dma_start3A_84 = tpu.memref_slice %arg5[%dma_start3A_77, %dma_start3A_83] : memref<8x120xi32, #tpu.memory_space<vmem>> -> memref<1x120xi32, #tpu.memory_space<vmem>>
    %dma_start3A_85 = tpu.memref_squeeze %dma_start3A_84 : memref<1x120xi32, #tpu.memory_space<vmem>> -> memref<120xi32, #tpu.memory_space<vmem>>
    %dma_start3A_86 = arith.constant 0 : i32
    %dma_start3A_87 = arith.constant 0 : i32
    %dma_start3A_88 = tpu.memref_slice %arg3[%dma_start3A_86, %dma_start3A_87] : memref<100000x384xf32, #tpu.memory_space<hbm>> -> memref<100000x384xf32, #tpu.memory_space<hbm>>
    tpu.enqueue_indirect_dma source(%dma_start3A_88 : memref<100000x384xf32, #tpu.memory_space<hbm>>) target(%dma_start3A_82 : memref<120x384xf32, #tpu.memory_space<vmem>>) offsets(%dma_start3A_85 : memref<120xi32, #tpu.memory_space<vmem>>) semaphore(%arg7 : memref<!tpu.dma_semaphore, #tpu.memory_space<semaphore_mem>>)
    %add3A_89 = arith.constant 120 : i32
    %add3A_90 = arith.addi %mul3A_2, %add3A_89 : i32
    %dma_start3A_91 = arith.constant 1 : i32
    %dma_start3A_92 = arith.constant 0 : i32
    %dma_start3A_93 = arith.constant 0 : i32
    %dma_start3A_94 = tpu.memref_slice %arg6[%dma_start3A_91, %dma_start3A_92, %dma_start3A_93] : memref<2x120x384xf32, #tpu.memory_space<vmem>> -> memref<1x120x384xf32, #tpu.memory_space<vmem>>
    %dma_start3A_95 = tpu.memref_squeeze %dma_start3A_94 : memref<1x120x384xf32, #tpu.memory_space<vmem>> -> memref<120x384xf32, #tpu.memory_space<vmem>>
    %dma_start3A_96 = arith.constant 0 : i32
    %dma_start3A_97 = tpu.memref_slice %arg4[%add3A_90, %dma_start3A_96] : memref<30720x384xf32, #tpu.memory_space<hbm>> -> memref<120x384xf32, #tpu.memory_space<hbm>>
    %dma_start3A_98 = arith.constant 0 : i32
    %dma_start3A_99 = tpu.memref_slice %arg4[%add3A_90, %dma_start3A_98] : memref<30720x384xf32, #tpu.memory_space<hbm>> -> memref<120x384xf32, #tpu.memory_space<hbm>>
    %dma_start3A_100 = arith.constant 0 : i32
    %dma_start3A_101 = arith.constant 0 : i32
    %dma_start3A_102 = tpu.memref_slice %arg6[%dma_start3A_91, %dma_start3A_100, %dma_start3A_101] : memref<2x120x384xf32, #tpu.memory_space<vmem>> -> memref<1x120x384xf32, #tpu.memory_space<vmem>>
    %dma_start3A_103 = tpu.memref_squeeze %dma_start3A_102 : memref<1x120x384xf32, #tpu.memory_space<vmem>> -> memref<120x384xf32, #tpu.memory_space<vmem>>
    tpu.enqueue_dma source(%dma_start3A_103 : memref<120x384xf32, #tpu.memory_space<vmem>>) target(%dma_start3A_99 : memref<120x384xf32, #tpu.memory_space<hbm>>) target_semaphore(%arg8 : memref<!tpu.dma_semaphore, #tpu.memory_space<semaphore_mem>>)
    %dma_wait3A_104 = arith.constant 2 : i32
    %dma_wait3A_105 = arith.constant 0 : i32
    %dma_wait3A_106 = arith.constant 0 : i32
    %dma_wait3A_107 = arith.constant 0 : i32
    %dma_wait3A_108 = tpu.memref_slice %arg6[%dma_wait3A_105, %dma_wait3A_106, %dma_wait3A_107] : memref<2x120x384xf32, #tpu.memory_space<vmem>> -> memref<1x120x384xf32, #tpu.memory_space<vmem>>
    %dma_wait3A_109 = tpu.memref_squeeze %dma_wait3A_108 : memref<1x120x384xf32, #tpu.memory_space<vmem>> -> memref<120x384xf32, #tpu.memory_space<vmem>>
    %dma_wait3A_110 = arith.constant 0 : i32
    %dma_wait3A_111 = tpu.memref_slice %arg5[%dma_wait3A_104, %dma_wait3A_110] : memref<8x120xi32, #tpu.memory_space<vmem>> -> memref<1x120xi32, #tpu.memory_space<vmem>>
    %dma_wait3A_112 = tpu.memref_squeeze %dma_wait3A_111 : memref<1x120xi32, #tpu.memory_space<vmem>> -> memref<120xi32, #tpu.memory_space<vmem>>
    %dma_wait3A_113 = arith.constant 0 : i32
    %dma_wait3A_114 = arith.constant 0 : i32
    %dma_wait3A_115 = tpu.memref_slice %arg3[%dma_wait3A_113, %dma_wait3A_114] : memref<100000x384xf32, #tpu.memory_space<hbm>> -> memref<100000x384xf32, #tpu.memory_space<hbm>>
    tpu.wait_indirect_dma semaphore(%arg7 : memref<!tpu.dma_semaphore, #tpu.memory_space<semaphore_mem>>) src(%dma_wait3A_115 : memref<100000x384xf32, #tpu.memory_space<hbm>>) dst(%dma_wait3A_109 : memref<120x384xf32, #tpu.memory_space<vmem>>)
    %dma_wait3A_116 = arith.constant 1 : i32
    %dma_wait3A_117 = arith.constant 0 : i32
    %dma_wait3A_118 = arith.constant 0 : i32
    %dma_wait3A_119 = tpu.memref_slice %arg6[%dma_wait3A_116, %dma_wait3A_117, %dma_wait3A_118] : memref<2x120x384xf32, #tpu.memory_space<vmem>> -> memref<1x120x384xf32, #tpu.memory_space<vmem>>
    %dma_wait3A_120 = tpu.memref_squeeze %dma_wait3A_119 : memref<1x120x384xf32, #tpu.memory_space<vmem>> -> memref<120x384xf32, #tpu.memory_space<vmem>>
    %dma_wait3A_121 = arith.constant 0 : i32
    %dma_wait3A_122 = tpu.memref_slice %arg4[%add3A_90, %dma_wait3A_121] : memref<30720x384xf32, #tpu.memory_space<hbm>> -> memref<120x384xf32, #tpu.memory_space<hbm>>
    %dma_wait3A_123 = arith.constant 0 : i32
    %dma_wait3A_124 = tpu.memref_slice %arg4[%add3A_90, %dma_wait3A_123] : memref<30720x384xf32, #tpu.memory_space<hbm>> -> memref<120x384xf32, #tpu.memory_space<hbm>>
    %dma_wait3A_125 = arith.constant 0 : i32
    %dma_wait3A_126 = arith.constant 0 : i32
    %dma_wait3A_127 = tpu.memref_slice %arg6[%dma_wait3A_116, %dma_wait3A_125, %dma_wait3A_126] : memref<2x120x384xf32, #tpu.memory_space<vmem>> -> memref<1x120x384xf32, #tpu.memory_space<vmem>>
    %dma_wait3A_128 = tpu.memref_squeeze %dma_wait3A_127 : memref<1x120x384xf32, #tpu.memory_space<vmem>> -> memref<120x384xf32, #tpu.memory_space<vmem>>
    tpu.wait_dma2 semaphore(%arg8 : memref<!tpu.dma_semaphore, #tpu.memory_space<semaphore_mem>>) src(%dma_wait3A_128 : memref<120x384xf32, #tpu.memory_space<vmem>>) dst(%dma_wait3A_124 : memref<120x384xf32, #tpu.memory_space<hbm>>)
    %dma_start3A_129 = arith.constant 3 : i32
    %dma_start3A_130 = arith.constant 1 : i32
    %dma_start3A_131 = arith.constant 0 : i32
    %dma_start3A_132 = arith.constant 0 : i32
    %dma_start3A_133 = tpu.memref_slice %arg6[%dma_start3A_130, %dma_start3A_131, %dma_start3A_132] : memref<2x120x384xf32, #tpu.memory_space<vmem>> -> memref<1x120x384xf32, #tpu.memory_space<vmem>>
    %dma_start3A_134 = tpu.memref_squeeze %dma_start3A_133 : memref<1x120x384xf32, #tpu.memory_space<vmem>> -> memref<120x384xf32, #tpu.memory_space<vmem>>
    %dma_start3A_135 = arith.constant 0 : i32
    %dma_start3A_136 = tpu.memref_slice %arg5[%dma_start3A_129, %dma_start3A_135] : memref<8x120xi32, #tpu.memory_space<vmem>> -> memref<1x120xi32, #tpu.memory_space<vmem>>
    %dma_start3A_137 = tpu.memref_squeeze %dma_start3A_136 : memref<1x120xi32, #tpu.memory_space<vmem>> -> memref<120xi32, #tpu.memory_space<vmem>>
    %dma_start3A_138 = arith.constant 0 : i32
    %dma_start3A_139 = arith.constant 0 : i32
    %dma_start3A_140 = tpu.memref_slice %arg3[%dma_start3A_138, %dma_start3A_139] : memref<100000x384xf32, #tpu.memory_space<hbm>> -> memref<100000x384xf32, #tpu.memory_space<hbm>>
    tpu.enqueue_indirect_dma source(%dma_start3A_140 : memref<100000x384xf32, #tpu.memory_space<hbm>>) target(%dma_start3A_134 : memref<120x384xf32, #tpu.memory_space<vmem>>) offsets(%dma_start3A_137 : memref<120xi32, #tpu.memory_space<vmem>>) semaphore(%arg7 : memref<!tpu.dma_semaphore, #tpu.memory_space<semaphore_mem>>)
    %add3A_141 = arith.constant 240 : i32
    %add3A_142 = arith.addi %mul3A_2, %add3A_141 : i32
    %dma_start3A_143 = arith.constant 0 : i32
    %dma_start3A_144 = arith.constant 0 : i32
    %dma_start3A_145 = arith.constant 0 : i32
    %dma_start3A_146 = tpu.memref_slice %arg6[%dma_start3A_143, %dma_start3A_144, %dma_start3A_145] : memref<2x120x384xf32, #tpu.memory_space<vmem>> -> memref<1x120x384xf32, #tpu.memory_space<vmem>>
    %dma_start3A_147 = tpu.memref_squeeze %dma_start3A_146 : memref<1x120x384xf32, #tpu.memory_space<vmem>> -> memref<120x384xf32, #tpu.memory_space<vmem>>
    %dma_start3A_148 = arith.constant 0 : i32
    %dma_start3A_149 = tpu.memref_slice %arg4[%add3A_142, %dma_start3A_148] : memref<30720x384xf32, #tpu.memory_space<hbm>> -> memref<120x384xf32, #tpu.memory_space<hbm>>
    %dma_start3A_150 = arith.constant 0 : i32
    %dma_start3A_151 = tpu.memref_slice %arg4[%add3A_142, %dma_start3A_150] : memref<30720x384xf32, #tpu.memory_space<hbm>> -> memref<120x384xf32, #tpu.memory_space<hbm>>
    %dma_start3A_152 = arith.constant 0 : i32
    %dma_start3A_153 = arith.constant 0 : i32
    %dma_start3A_154 = tpu.memref_slice %arg6[%dma_start3A_143, %dma_start3A_152, %dma_start3A_153] : memref<2x120x384xf32, #tpu.memory_space<vmem>> -> memref<1x120x384xf32, #tpu.memory_space<vmem>>
    %dma_start3A_155 = tpu.memref_squeeze %dma_start3A_154 : memref<1x120x384xf32, #tpu.memory_space<vmem>> -> memref<120x384xf32, #tpu.memory_space<vmem>>
    tpu.enqueue_dma source(%dma_start3A_155 : memref<120x384xf32, #tpu.memory_space<vmem>>) target(%dma_start3A_151 : memref<120x384xf32, #tpu.memory_space<hbm>>) target_semaphore(%arg8 : memref<!tpu.dma_semaphore, #tpu.memory_space<semaphore_mem>>)
    %dma_wait3A_156 = arith.constant 3 : i32
    %dma_wait3A_157 = arith.constant 1 : i32
    %dma_wait3A_158 = arith.constant 0 : i32
    %dma_wait3A_159 = arith.constant 0 : i32
    %dma_wait3A_160 = tpu.memref_slice %arg6[%dma_wait3A_157, %dma_wait3A_158, %dma_wait3A_159] : memref<2x120x384xf32, #tpu.memory_space<vmem>> -> memref<1x120x384xf32, #tpu.memory_space<vmem>>
    %dma_wait3A_161 = tpu.memref_squeeze %dma_wait3A_160 : memref<1x120x384xf32, #tpu.memory_space<vmem>> -> memref<120x384xf32, #tpu.memory_space<vmem>>
    %dma_wait3A_162 = arith.constant 0 : i32
    %dma_wait3A_163 = tpu.memref_slice %arg5[%dma_wait3A_156, %dma_wait3A_162] : memref<8x120xi32, #tpu.memory_space<vmem>> -> memref<1x120xi32, #tpu.memory_space<vmem>>
    %dma_wait3A_164 = tpu.memref_squeeze %dma_wait3A_163 : memref<1x120xi32, #tpu.memory_space<vmem>> -> memref<120xi32, #tpu.memory_space<vmem>>
    %dma_wait3A_165 = arith.constant 0 : i32
    %dma_wait3A_166 = arith.constant 0 : i32
    %dma_wait3A_167 = tpu.memref_slice %arg3[%dma_wait3A_165, %dma_wait3A_166] : memref<100000x384xf32, #tpu.memory_space<hbm>> -> memref<100000x384xf32, #tpu.memory_space<hbm>>
    tpu.wait_indirect_dma semaphore(%arg7 : memref<!tpu.dma_semaphore, #tpu.memory_space<semaphore_mem>>) src(%dma_wait3A_167 : memref<100000x384xf32, #tpu.memory_space<hbm>>) dst(%dma_wait3A_161 : memref<120x384xf32, #tpu.memory_space<vmem>>)
    %dma_wait3A_168 = arith.constant 0 : i32
    %dma_wait3A_169 = arith.constant 0 : i32
    %dma_wait3A_170 = arith.constant 0 : i32
    %dma_wait3A_171 = tpu.memref_slice %arg6[%dma_wait3A_168, %dma_wait3A_169, %dma_wait3A_170] : memref<2x120x384xf32, #tpu.memory_space<vmem>> -> memref<1x120x384xf32, #tpu.memory_space<vmem>>
    %dma_wait3A_172 = tpu.memref_squeeze %dma_wait3A_171 : memref<1x120x384xf32, #tpu.memory_space<vmem>> -> memref<120x384xf32, #tpu.memory_space<vmem>>
    %dma_wait3A_173 = arith.constant 0 : i32
    %dma_wait3A_174 = tpu.memref_slice %arg4[%add3A_142, %dma_wait3A_173] : memref<30720x384xf32, #tpu.memory_space<hbm>> -> memref<120x384xf32, #tpu.memory_space<hbm>>
    %dma_wait3A_175 = arith.constant 0 : i32
    %dma_wait3A_176 = tpu.memref_slice %arg4[%add3A_142, %dma_wait3A_175] : memref<30720x384xf32, #tpu.memory_space<hbm>> -> memref<120x384xf32, #tpu.memory_space<hbm>>
    %dma_wait3A_177 = arith.constant 0 : i32
    %dma_wait3A_178 = arith.constant 0 : i32
    %dma_wait3A_179 = tpu.memref_slice %arg6[%dma_wait3A_168, %dma_wait3A_177, %dma_wait3A_178] : memref<2x120x384xf32, #tpu.memory_space<vmem>> -> memref<1x120x384xf32, #tpu.memory_space<vmem>>
    %dma_wait3A_180 = tpu.memref_squeeze %dma_wait3A_179 : memref<1x120x384xf32, #tpu.memory_space<vmem>> -> memref<120x384xf32, #tpu.memory_space<vmem>>
    tpu.wait_dma2 semaphore(%arg8 : memref<!tpu.dma_semaphore, #tpu.memory_space<semaphore_mem>>) src(%dma_wait3A_180 : memref<120x384xf32, #tpu.memory_space<vmem>>) dst(%dma_wait3A_176 : memref<120x384xf32, #tpu.memory_space<hbm>>)
    %dma_start3A_181 = arith.constant 4 : i32
    %dma_start3A_182 = arith.constant 0 : i32
    %dma_start3A_183 = arith.constant 0 : i32
    %dma_start3A_184 = arith.constant 0 : i32
    %dma_start3A_185 = tpu.memref_slice %arg6[%dma_start3A_182, %dma_start3A_183, %dma_start3A_184] : memref<2x120x384xf32, #tpu.memory_space<vmem>> -> memref<1x120x384xf32, #tpu.memory_space<vmem>>
    %dma_start3A_186 = tpu.memref_squeeze %dma_start3A_185 : memref<1x120x384xf32, #tpu.memory_space<vmem>> -> memref<120x384xf32, #tpu.memory_space<vmem>>
    %dma_start3A_187 = arith.constant 0 : i32
    %dma_start3A_188 = tpu.memref_slice %arg5[%dma_start3A_181, %dma_start3A_187] : memref<8x120xi32, #tpu.memory_space<vmem>> -> memref<1x120xi32, #tpu.memory_space<vmem>>
    %dma_start3A_189 = tpu.memref_squeeze %dma_start3A_188 : memref<1x120xi32, #tpu.memory_space<vmem>> -> memref<120xi32, #tpu.memory_space<vmem>>
    %dma_start3A_190 = arith.constant 0 : i32
    %dma_start3A_191 = arith.constant 0 : i32
    %dma_start3A_192 = tpu.memref_slice %arg3[%dma_start3A_190, %dma_start3A_191] : memref<100000x384xf32, #tpu.memory_space<hbm>> -> memref<100000x384xf32, #tpu.memory_space<hbm>>
    tpu.enqueue_indirect_dma source(%dma_start3A_192 : memref<100000x384xf32, #tpu.memory_space<hbm>>) target(%dma_start3A_186 : memref<120x384xf32, #tpu.memory_space<vmem>>) offsets(%dma_start3A_189 : memref<120xi32, #tpu.memory_space<vmem>>) semaphore(%arg7 : memref<!tpu.dma_semaphore, #tpu.memory_space<semaphore_mem>>)
    %add3A_193 = arith.constant 360 : i32
    %add3A_194 = arith.addi %mul3A_2, %add3A_193 : i32
    %dma_start3A_195 = arith.constant 1 : i32
    %dma_start3A_196 = arith.constant 0 : i32
    %dma_start3A_197 = arith.constant 0 : i32
    %dma_start3A_198 = tpu.memref_slice %arg6[%dma_start3A_195, %dma_start3A_196, %dma_start3A_197] : memref<2x120x384xf32, #tpu.memory_space<vmem>> -> memref<1x120x384xf32, #tpu.memory_space<vmem>>
    %dma_start3A_199 = tpu.memref_squeeze %dma_start3A_198 : memref<1x120x384xf32, #tpu.memory_space<vmem>> -> memref<120x384xf32, #tpu.memory_space<vmem>>
    %dma_start3A_200 = arith.constant 0 : i32
    %dma_start3A_201 = tpu.memref_slice %arg4[%add3A_194, %dma_start3A_200] : memref<30720x384xf32, #tpu.memory_space<hbm>> -> memref<120x384xf32, #tpu.memory_space<hbm>>
    %dma_start3A_202 = arith.constant 0 : i32
    %dma_start3A_203 = tpu.memref_slice %arg4[%add3A_194, %dma_start3A_202] : memref<30720x384xf32, #tpu.memory_space<hbm>> -> memref<120x384xf32, #tpu.memory_space<hbm>>
    %dma_start3A_204 = arith.constant 0 : i32
    %dma_start3A_205 = arith.constant 0 : i32
    %dma_start3A_206 = tpu.memref_slice %arg6[%dma_start3A_195, %dma_start3A_204, %dma_start3A_205] : memref<2x120x384xf32, #tpu.memory_space<vmem>> -> memref<1x120x384xf32, #tpu.memory_space<vmem>>
    %dma_start3A_207 = tpu.memref_squeeze %dma_start3A_206 : memref<1x120x384xf32, #tpu.memory_space<vmem>> -> memref<120x384xf32, #tpu.memory_space<vmem>>
    tpu.enqueue_dma source(%dma_start3A_207 : memref<120x384xf32, #tpu.memory_space<vmem>>) target(%dma_start3A_203 : memref<120x384xf32, #tpu.memory_space<hbm>>) target_semaphore(%arg8 : memref<!tpu.dma_semaphore, #tpu.memory_space<semaphore_mem>>)
    %dma_wait3A_208 = arith.constant 4 : i32
    %dma_wait3A_209 = arith.constant 0 : i32
    %dma_wait3A_210 = arith.constant 0 : i32
    %dma_wait3A_211 = arith.constant 0 : i32
    %dma_wait3A_212 = tpu.memref_slice %arg6[%dma_wait3A_209, %dma_wait3A_210, %dma_wait3A_211] : memref<2x120x384xf32, #tpu.memory_space<vmem>> -> memref<1x120x384xf32, #tpu.memory_space<vmem>>
    %dma_wait3A_213 = tpu.memref_squeeze %dma_wait3A_212 : memref<1x120x384xf32, #tpu.memory_space<vmem>> -> memref<120x384xf32, #tpu.memory_space<vmem>>
    %dma_wait3A_214 = arith.constant 0 : i32
    %dma_wait3A_215 = tpu.memref_slice %arg5[%dma_wait3A_208, %dma_wait3A_214] : memref<8x120xi32, #tpu.memory_space<vmem>> -> memref<1x120xi32, #tpu.memory_space<vmem>>
    %dma_wait3A_216 = tpu.memref_squeeze %dma_wait3A_215 : memref<1x120xi32, #tpu.memory_space<vmem>> -> memref<120xi32, #tpu.memory_space<vmem>>
    %dma_wait3A_217 = arith.constant 0 : i32
    %dma_wait3A_218 = arith.constant 0 : i32
    %dma_wait3A_219 = tpu.memref_slice %arg3[%dma_wait3A_217, %dma_wait3A_218] : memref<100000x384xf32, #tpu.memory_space<hbm>> -> memref<100000x384xf32, #tpu.memory_space<hbm>>
    tpu.wait_indirect_dma semaphore(%arg7 : memref<!tpu.dma_semaphore, #tpu.memory_space<semaphore_mem>>) src(%dma_wait3A_219 : memref<100000x384xf32, #tpu.memory_space<hbm>>) dst(%dma_wait3A_213 : memref<120x384xf32, #tpu.memory_space<vmem>>)
    %dma_wait3A_220 = arith.constant 1 : i32
    %dma_wait3A_221 = arith.constant 0 : i32
    %dma_wait3A_222 = arith.constant 0 : i32
    %dma_wait3A_223 = tpu.memref_slice %arg6[%dma_wait3A_220, %dma_wait3A_221, %dma_wait3A_222] : memref<2x120x384xf32, #tpu.memory_space<vmem>> -> memref<1x120x384xf32, #tpu.memory_space<vmem>>
    %dma_wait3A_224 = tpu.memref_squeeze %dma_wait3A_223 : memref<1x120x384xf32, #tpu.memory_space<vmem>> -> memref<120x384xf32, #tpu.memory_space<vmem>>
    %dma_wait3A_225 = arith.constant 0 : i32
    %dma_wait3A_226 = tpu.memref_slice %arg4[%add3A_194, %dma_wait3A_225] : memref<30720x384xf32, #tpu.memory_space<hbm>> -> memref<120x384xf32, #tpu.memory_space<hbm>>
    %dma_wait3A_227 = arith.constant 0 : i32
    %dma_wait3A_228 = tpu.memref_slice %arg4[%add3A_194, %dma_wait3A_227] : memref<30720x384xf32, #tpu.memory_space<hbm>> -> memref<120x384xf32, #tpu.memory_space<hbm>>
    %dma_wait3A_229 = arith.constant 0 : i32
    %dma_wait3A_230 = arith.constant 0 : i32
    %dma_wait3A_231 = tpu.memref_slice %arg6[%dma_wait3A_220, %dma_wait3A_229, %dma_wait3A_230] : memref<2x120x384xf32, #tpu.memory_space<vmem>> -> memref<1x120x384xf32, #tpu.memory_space<vmem>>
    %dma_wait3A_232 = tpu.memref_squeeze %dma_wait3A_231 : memref<1x120x384xf32, #tpu.memory_space<vmem>> -> memref<120x384xf32, #tpu.memory_space<vmem>>
    tpu.wait_dma2 semaphore(%arg8 : memref<!tpu.dma_semaphore, #tpu.memory_space<semaphore_mem>>) src(%dma_wait3A_232 : memref<120x384xf32, #tpu.memory_space<vmem>>) dst(%dma_wait3A_228 : memref<120x384xf32, #tpu.memory_space<hbm>>)
    %dma_start3A_233 = arith.constant 5 : i32
    %dma_start3A_234 = arith.constant 1 : i32
    %dma_start3A_235 = arith.constant 0 : i32
    %dma_start3A_236 = arith.constant 0 : i32
    %dma_start3A_237 = tpu.memref_slice %arg6[%dma_start3A_234, %dma_start3A_235, %dma_start3A_236] : memref<2x120x384xf32, #tpu.memory_space<vmem>> -> memref<1x120x384xf32, #tpu.memory_space<vmem>>
    %dma_start3A_238 = tpu.memref_squeeze %dma_start3A_237 : memref<1x120x384xf32, #tpu.memory_space<vmem>> -> memref<120x384xf32, #tpu.memory_space<vmem>>
    %dma_start3A_239 = arith.constant 0 : i32
    %dma_start3A_240 = tpu.memref_slice %arg5[%dma_start3A_233, %dma_start3A_239] : memref<8x120xi32, #tpu.memory_space<vmem>> -> memref<1x120xi32, #tpu.memory_space<vmem>>
    %dma_start3A_241 = tpu.memref_squeeze %dma_start3A_240 : memref<1x120xi32, #tpu.memory_space<vmem>> -> memref<120xi32, #tpu.memory_space<vmem>>
    %dma_start3A_242 = arith.constant 0 : i32
    %dma_start3A_243 = arith.constant 0 : i32
    %dma_start3A_244 = tpu.memref_slice %arg3[%dma_start3A_242, %dma_start3A_243] : memref<100000x384xf32, #tpu.memory_space<hbm>> -> memref<100000x384xf32, #tpu.memory_space<hbm>>
    tpu.enqueue_indirect_dma source(%dma_start3A_244 : memref<100000x384xf32, #tpu.memory_space<hbm>>) target(%dma_start3A_238 : memref<120x384xf32, #tpu.memory_space<vmem>>) offsets(%dma_start3A_241 : memref<120xi32, #tpu.memory_space<vmem>>) semaphore(%arg7 : memref<!tpu.dma_semaphore, #tpu.memory_space<semaphore_mem>>)
    %add3A_245 = arith.constant 480 : i32
    %add3A_246 = arith.addi %mul3A_2, %add3A_245 : i32
    %dma_start3A_247 = arith.constant 0 : i32
    %dma_start3A_248 = arith.constant 0 : i32
    %dma_start3A_249 = arith.constant 0 : i32
    %dma_start3A_250 = tpu.memref_slice %arg6[%dma_start3A_247, %dma_start3A_248, %dma_start3A_249] : memref<2x120x384xf32, #tpu.memory_space<vmem>> -> memref<1x120x384xf32, #tpu.memory_space<vmem>>
    %dma_start3A_251 = tpu.memref_squeeze %dma_start3A_250 : memref<1x120x384xf32, #tpu.memory_space<vmem>> -> memref<120x384xf32, #tpu.memory_space<vmem>>
    %dma_start3A_252 = arith.constant 0 : i32
    %dma_start3A_253 = tpu.memref_slice %arg4[%add3A_246, %dma_start3A_252] : memref<30720x384xf32, #tpu.memory_space<hbm>> -> memref<120x384xf32, #tpu.memory_space<hbm>>
    %dma_start3A_254 = arith.constant 0 : i32
    %dma_start3A_255 = tpu.memref_slice %arg4[%add3A_246, %dma_start3A_254] : memref<30720x384xf32, #tpu.memory_space<hbm>> -> memref<120x384xf32, #tpu.memory_space<hbm>>
    %dma_start3A_256 = arith.constant 0 : i32
    %dma_start3A_257 = arith.constant 0 : i32
    %dma_start3A_258 = tpu.memref_slice %arg6[%dma_start3A_247, %dma_start3A_256, %dma_start3A_257] : memref<2x120x384xf32, #tpu.memory_space<vmem>> -> memref<1x120x384xf32, #tpu.memory_space<vmem>>
    %dma_start3A_259 = tpu.memref_squeeze %dma_start3A_258 : memref<1x120x384xf32, #tpu.memory_space<vmem>> -> memref<120x384xf32, #tpu.memory_space<vmem>>
    tpu.enqueue_dma source(%dma_start3A_259 : memref<120x384xf32, #tpu.memory_space<vmem>>) target(%dma_start3A_255 : memref<120x384xf32, #tpu.memory_space<hbm>>) target_semaphore(%arg8 : memref<!tpu.dma_semaphore, #tpu.memory_space<semaphore_mem>>)
    %dma_wait3A_260 = arith.constant 5 : i32
    %dma_wait3A_261 = arith.constant 1 : i32
    %dma_wait3A_262 = arith.constant 0 : i32
    %dma_wait3A_263 = arith.constant 0 : i32
    %dma_wait3A_264 = tpu.memref_slice %arg6[%dma_wait3A_261, %dma_wait3A_262, %dma_wait3A_263] : memref<2x120x384xf32, #tpu.memory_space<vmem>> -> memref<1x120x384xf32, #tpu.memory_space<vmem>>
    %dma_wait3A_265 = tpu.memref_squeeze %dma_wait3A_264 : memref<1x120x384xf32, #tpu.memory_space<vmem>> -> memref<120x384xf32, #tpu.memory_space<vmem>>
    %dma_wait3A_266 = arith.constant 0 : i32
    %dma_wait3A_267 = tpu.memref_slice %arg5[%dma_wait3A_260, %dma_wait3A_266] : memref<8x120xi32, #tpu.memory_space<vmem>> -> memref<1x120xi32, #tpu.memory_space<vmem>>
    %dma_wait3A_268 = tpu.memref_squeeze %dma_wait3A_267 : memref<1x120xi32, #tpu.memory_space<vmem>> -> memref<120xi32, #tpu.memory_space<vmem>>
    %dma_wait3A_269 = arith.constant 0 : i32
    %dma_wait3A_270 = arith.constant 0 : i32
    %dma_wait3A_271 = tpu.memref_slice %arg3[%dma_wait3A_269, %dma_wait3A_270] : memref<100000x384xf32, #tpu.memory_space<hbm>> -> memref<100000x384xf32, #tpu.memory_space<hbm>>
    tpu.wait_indirect_dma semaphore(%arg7 : memref<!tpu.dma_semaphore, #tpu.memory_space<semaphore_mem>>) src(%dma_wait3A_271 : memref<100000x384xf32, #tpu.memory_space<hbm>>) dst(%dma_wait3A_265 : memref<120x384xf32, #tpu.memory_space<vmem>>)
    %dma_wait3A_272 = arith.constant 0 : i32
    %dma_wait3A_273 = arith.constant 0 : i32
    %dma_wait3A_274 = arith.constant 0 : i32
    %dma_wait3A_275 = tpu.memref_slice %arg6[%dma_wait3A_272, %dma_wait3A_273, %dma_wait3A_274] : memref<2x120x384xf32, #tpu.memory_space<vmem>> -> memref<1x120x384xf32, #tpu.memory_space<vmem>>
    %dma_wait3A_276 = tpu.memref_squeeze %dma_wait3A_275 : memref<1x120x384xf32, #tpu.memory_space<vmem>> -> memref<120x384xf32, #tpu.memory_space<vmem>>
    %dma_wait3A_277 = arith.constant 0 : i32
    %dma_wait3A_278 = tpu.memref_slice %arg4[%add3A_246, %dma_wait3A_277] : memref<30720x384xf32, #tpu.memory_space<hbm>> -> memref<120x384xf32, #tpu.memory_space<hbm>>
    %dma_wait3A_279 = arith.constant 0 : i32
    %dma_wait3A_280 = tpu.memref_slice %arg4[%add3A_246, %dma_wait3A_279] : memref<30720x384xf32, #tpu.memory_space<hbm>> -> memref<120x384xf32, #tpu.memory_space<hbm>>
    %dma_wait3A_281 = arith.constant 0 : i32
    %dma_wait3A_282 = arith.constant 0 : i32
    %dma_wait3A_283 = tpu.memref_slice %arg6[%dma_wait3A_272, %dma_wait3A_281, %dma_wait3A_282] : memref<2x120x384xf32, #tpu.memory_space<vmem>> -> memref<1x120x384xf32, #tpu.memory_space<vmem>>
    %dma_wait3A_284 = tpu.memref_squeeze %dma_wait3A_283 : memref<1x120x384xf32, #tpu.memory_space<vmem>> -> memref<120x384xf32, #tpu.memory_space<vmem>>
    tpu.wait_dma2 semaphore(%arg8 : memref<!tpu.dma_semaphore, #tpu.memory_space<semaphore_mem>>) src(%dma_wait3A_284 : memref<120x384xf32, #tpu.memory_space<vmem>>) dst(%dma_wait3A_280 : memref<120x384xf32, #tpu.memory_space<hbm>>)
    %dma_start3A_285 = arith.constant 6 : i32
    %dma_start3A_286 = arith.constant 0 : i32
    %dma_start3A_287 = arith.constant 0 : i32
    %dma_start3A_288 = arith.constant 0 : i32
    %dma_start3A_289 = tpu.memref_slice %arg6[%dma_start3A_286, %dma_start3A_287, %dma_start3A_288] : memref<2x120x384xf32, #tpu.memory_space<vmem>> -> memref<1x120x384xf32, #tpu.memory_space<vmem>>
    %dma_start3A_290 = tpu.memref_squeeze %dma_start3A_289 : memref<1x120x384xf32, #tpu.memory_space<vmem>> -> memref<120x384xf32, #tpu.memory_space<vmem>>
    %dma_start3A_291 = arith.constant 0 : i32
    %dma_start3A_292 = tpu.memref_slice %arg5[%dma_start3A_285, %dma_start3A_291] : memref<8x120xi32, #tpu.memory_space<vmem>> -> memref<1x120xi32, #tpu.memory_space<vmem>>
    %dma_start3A_293 = tpu.memref_squeeze %dma_start3A_292 : memref<1x120xi32, #tpu.memory_space<vmem>> -> memref<120xi32, #tpu.memory_space<vmem>>
    %dma_start3A_294 = arith.constant 0 : i32
    %dma_start3A_295 = arith.constant 0 : i32
    %dma_start3A_296 = tpu.memref_slice %arg3[%dma_start3A_294, %dma_start3A_295] : memref<100000x384xf32, #tpu.memory_space<hbm>> -> memref<100000x384xf32, #tpu.memory_space<hbm>>
    tpu.enqueue_indirect_dma source(%dma_start3A_296 : memref<100000x384xf32, #tpu.memory_space<hbm>>) target(%dma_start3A_290 : memref<120x384xf32, #tpu.memory_space<vmem>>) offsets(%dma_start3A_293 : memref<120xi32, #tpu.memory_space<vmem>>) semaphore(%arg7 : memref<!tpu.dma_semaphore, #tpu.memory_space<semaphore_mem>>)
    %add3A_297 = arith.constant 600 : i32
    %add3A_298 = arith.addi %mul3A_2, %add3A_297 : i32
    %dma_start3A_299 = arith.constant 1 : i32
    %dma_start3A_300 = arith.constant 0 : i32
    %dma_start3A_301 = arith.constant 0 : i32
    %dma_start3A_302 = tpu.memref_slice %arg6[%dma_start3A_299, %dma_start3A_300, %dma_start3A_301] : memref<2x120x384xf32, #tpu.memory_space<vmem>> -> memref<1x120x384xf32, #tpu.memory_space<vmem>>
    %dma_start3A_303 = tpu.memref_squeeze %dma_start3A_302 : memref<1x120x384xf32, #tpu.memory_space<vmem>> -> memref<120x384xf32, #tpu.memory_space<vmem>>
    %dma_start3A_304 = arith.constant 0 : i32
    %dma_start3A_305 = tpu.memref_slice %arg4[%add3A_298, %dma_start3A_304] : memref<30720x384xf32, #tpu.memory_space<hbm>> -> memref<120x384xf32, #tpu.memory_space<hbm>>
    %dma_start3A_306 = arith.constant 0 : i32
    %dma_start3A_307 = tpu.memref_slice %arg4[%add3A_298, %dma_start3A_306] : memref<30720x384xf32, #tpu.memory_space<hbm>> -> memref<120x384xf32, #tpu.memory_space<hbm>>
    %dma_start3A_308 = arith.constant 0 : i32
    %dma_start3A_309 = arith.constant 0 : i32
    %dma_start3A_310 = tpu.memref_slice %arg6[%dma_start3A_299, %dma_start3A_308, %dma_start3A_309] : memref<2x120x384xf32, #tpu.memory_space<vmem>> -> memref<1x120x384xf32, #tpu.memory_space<vmem>>
    %dma_start3A_311 = tpu.memref_squeeze %dma_start3A_310 : memref<1x120x384xf32, #tpu.memory_space<vmem>> -> memref<120x384xf32, #tpu.memory_space<vmem>>
    tpu.enqueue_dma source(%dma_start3A_311 : memref<120x384xf32, #tpu.memory_space<vmem>>) target(%dma_start3A_307 : memref<120x384xf32, #tpu.memory_space<hbm>>) target_semaphore(%arg8 : memref<!tpu.dma_semaphore, #tpu.memory_space<semaphore_mem>>)
    %dma_wait3A_312 = arith.constant 6 : i32
    %dma_wait3A_313 = arith.constant 0 : i32
    %dma_wait3A_314 = arith.constant 0 : i32
    %dma_wait3A_315 = arith.constant 0 : i32
    %dma_wait3A_316 = tpu.memref_slice %arg6[%dma_wait3A_313, %dma_wait3A_314, %dma_wait3A_315] : memref<2x120x384xf32, #tpu.memory_space<vmem>> -> memref<1x120x384xf32, #tpu.memory_space<vmem>>
    %dma_wait3A_317 = tpu.memref_squeeze %dma_wait3A_316 : memref<1x120x384xf32, #tpu.memory_space<vmem>> -> memref<120x384xf32, #tpu.memory_space<vmem>>
    %dma_wait3A_318 = arith.constant 0 : i32
    %dma_wait3A_319 = tpu.memref_slice %arg5[%dma_wait3A_312, %dma_wait3A_318] : memref<8x120xi32, #tpu.memory_space<vmem>> -> memref<1x120xi32, #tpu.memory_space<vmem>>
    %dma_wait3A_320 = tpu.memref_squeeze %dma_wait3A_319 : memref<1x120xi32, #tpu.memory_space<vmem>> -> memref<120xi32, #tpu.memory_space<vmem>>
    %dma_wait3A_321 = arith.constant 0 : i32
    %dma_wait3A_322 = arith.constant 0 : i32
    %dma_wait3A_323 = tpu.memref_slice %arg3[%dma_wait3A_321, %dma_wait3A_322] : memref<100000x384xf32, #tpu.memory_space<hbm>> -> memref<100000x384xf32, #tpu.memory_space<hbm>>
    tpu.wait_indirect_dma semaphore(%arg7 : memref<!tpu.dma_semaphore, #tpu.memory_space<semaphore_mem>>) src(%dma_wait3A_323 : memref<100000x384xf32, #tpu.memory_space<hbm>>) dst(%dma_wait3A_317 : memref<120x384xf32, #tpu.memory_space<vmem>>)
    %dma_wait3A_324 = arith.constant 1 : i32
    %dma_wait3A_325 = arith.constant 0 : i32
    %dma_wait3A_326 = arith.constant 0 : i32
    %dma_wait3A_327 = tpu.memref_slice %arg6[%dma_wait3A_324, %dma_wait3A_325, %dma_wait3A_326] : memref<2x120x384xf32, #tpu.memory_space<vmem>> -> memref<1x120x384xf32, #tpu.memory_space<vmem>>
    %dma_wait3A_328 = tpu.memref_squeeze %dma_wait3A_327 : memref<1x120x384xf32, #tpu.memory_space<vmem>> -> memref<120x384xf32, #tpu.memory_space<vmem>>
    %dma_wait3A_329 = arith.constant 0 : i32
    %dma_wait3A_330 = tpu.memref_slice %arg4[%add3A_298, %dma_wait3A_329] : memref<30720x384xf32, #tpu.memory_space<hbm>> -> memref<120x384xf32, #tpu.memory_space<hbm>>
    %dma_wait3A_331 = arith.constant 0 : i32
    %dma_wait3A_332 = tpu.memref_slice %arg4[%add3A_298, %dma_wait3A_331] : memref<30720x384xf32, #tpu.memory_space<hbm>> -> memref<120x384xf32, #tpu.memory_space<hbm>>
    %dma_wait3A_333 = arith.constant 0 : i32
    %dma_wait3A_334 = arith.constant 0 : i32
    %dma_wait3A_335 = tpu.memref_slice %arg6[%dma_wait3A_324, %dma_wait3A_333, %dma_wait3A_334] : memref<2x120x384xf32, #tpu.memory_space<vmem>> -> memref<1x120x384xf32, #tpu.memory_space<vmem>>
    %dma_wait3A_336 = tpu.memref_squeeze %dma_wait3A_335 : memref<1x120x384xf32, #tpu.memory_space<vmem>> -> memref<120x384xf32, #tpu.memory_space<vmem>>
    tpu.wait_dma2 semaphore(%arg8 : memref<!tpu.dma_semaphore, #tpu.memory_space<semaphore_mem>>) src(%dma_wait3A_336 : memref<120x384xf32, #tpu.memory_space<vmem>>) dst(%dma_wait3A_332 : memref<120x384xf32, #tpu.memory_space<hbm>>)
    %dma_start3A_337 = arith.constant 7 : i32
    %dma_start3A_338 = arith.constant 1 : i32
    %dma_start3A_339 = arith.constant 0 : i32
    %dma_start3A_340 = arith.constant 0 : i32
    %dma_start3A_341 = tpu.memref_slice %arg6[%dma_start3A_338, %dma_start3A_339, %dma_start3A_340] : memref<2x120x384xf32, #tpu.memory_space<vmem>> -> memref<1x120x384xf32, #tpu.memory_space<vmem>>
    %dma_start3A_342 = tpu.memref_squeeze %dma_start3A_341 : memref<1x120x384xf32, #tpu.memory_space<vmem>> -> memref<120x384xf32, #tpu.memory_space<vmem>>
    %dma_start3A_343 = arith.constant 0 : i32
    %dma_start3A_344 = tpu.memref_slice %arg5[%dma_start3A_337, %dma_start3A_343] : memref<8x120xi32, #tpu.memory_space<vmem>> -> memref<1x120xi32, #tpu.memory_space<vmem>>
    %dma_start3A_345 = tpu.memref_squeeze %dma_start3A_344 : memref<1x120xi32, #tpu.memory_space<vmem>> -> memref<120xi32, #tpu.memory_space<vmem>>
    %dma_start3A_346 = arith.constant 0 : i32
    %dma_start3A_347 = arith.constant 0 : i32
    %dma_start3A_348 = tpu.memref_slice %arg3[%dma_start3A_346, %dma_start3A_347] : memref<100000x384xf32, #tpu.memory_space<hbm>> -> memref<100000x384xf32, #tpu.memory_space<hbm>>
    tpu.enqueue_indirect_dma source(%dma_start3A_348 : memref<100000x384xf32, #tpu.memory_space<hbm>>) target(%dma_start3A_342 : memref<120x384xf32, #tpu.memory_space<vmem>>) offsets(%dma_start3A_345 : memref<120xi32, #tpu.memory_space<vmem>>) semaphore(%arg7 : memref<!tpu.dma_semaphore, #tpu.memory_space<semaphore_mem>>)
    %add3A_349 = arith.constant 720 : i32
    %add3A_350 = arith.addi %mul3A_2, %add3A_349 : i32
    %dma_start3A_351 = arith.constant 0 : i32
    %dma_start3A_352 = arith.constant 0 : i32
    %dma_start3A_353 = arith.constant 0 : i32
    %dma_start3A_354 = tpu.memref_slice %arg6[%dma_start3A_351, %dma_start3A_352, %dma_start3A_353] : memref<2x120x384xf32, #tpu.memory_space<vmem>> -> memref<1x120x384xf32, #tpu.memory_space<vmem>>
    %dma_start3A_355 = tpu.memref_squeeze %dma_start3A_354 : memref<1x120x384xf32, #tpu.memory_space<vmem>> -> memref<120x384xf32, #tpu.memory_space<vmem>>
    %dma_start3A_356 = arith.constant 0 : i32
    %dma_start3A_357 = tpu.memref_slice %arg4[%add3A_350, %dma_start3A_356] : memref<30720x384xf32, #tpu.memory_space<hbm>> -> memref<120x384xf32, #tpu.memory_space<hbm>>
    %dma_start3A_358 = arith.constant 0 : i32
    %dma_start3A_359 = tpu.memref_slice %arg4[%add3A_350, %dma_start3A_358] : memref<30720x384xf32, #tpu.memory_space<hbm>> -> memref<120x384xf32, #tpu.memory_space<hbm>>
    %dma_start3A_360 = arith.constant 0 : i32
    %dma_start3A_361 = arith.constant 0 : i32
    %dma_start3A_362 = tpu.memref_slice %arg6[%dma_start3A_351, %dma_start3A_360, %dma_start3A_361] : memref<2x120x384xf32, #tpu.memory_space<vmem>> -> memref<1x120x384xf32, #tpu.memory_space<vmem>>
    %dma_start3A_363 = tpu.memref_squeeze %dma_start3A_362 : memref<1x120x384xf32, #tpu.memory_space<vmem>> -> memref<120x384xf32, #tpu.memory_space<vmem>>
    tpu.enqueue_dma source(%dma_start3A_363 : memref<120x384xf32, #tpu.memory_space<vmem>>) target(%dma_start3A_359 : memref<120x384xf32, #tpu.memory_space<hbm>>) target_semaphore(%arg8 : memref<!tpu.dma_semaphore, #tpu.memory_space<semaphore_mem>>)
    %dma_wait3A_364 = arith.constant 7 : i32
    %dma_wait3A_365 = arith.constant 1 : i32
    %dma_wait3A_366 = arith.constant 0 : i32
    %dma_wait3A_367 = arith.constant 0 : i32
    %dma_wait3A_368 = tpu.memref_slice %arg6[%dma_wait3A_365, %dma_wait3A_366, %dma_wait3A_367] : memref<2x120x384xf32, #tpu.memory_space<vmem>> -> memref<1x120x384xf32, #tpu.memory_space<vmem>>
    %dma_wait3A_369 = tpu.memref_squeeze %dma_wait3A_368 : memref<1x120x384xf32, #tpu.memory_space<vmem>> -> memref<120x384xf32, #tpu.memory_space<vmem>>
    %dma_wait3A_370 = arith.constant 0 : i32
    %dma_wait3A_371 = tpu.memref_slice %arg5[%dma_wait3A_364, %dma_wait3A_370] : memref<8x120xi32, #tpu.memory_space<vmem>> -> memref<1x120xi32, #tpu.memory_space<vmem>>
    %dma_wait3A_372 = tpu.memref_squeeze %dma_wait3A_371 : memref<1x120xi32, #tpu.memory_space<vmem>> -> memref<120xi32, #tpu.memory_space<vmem>>
    %dma_wait3A_373 = arith.constant 0 : i32
    %dma_wait3A_374 = arith.constant 0 : i32
    %dma_wait3A_375 = tpu.memref_slice %arg3[%dma_wait3A_373, %dma_wait3A_374] : memref<100000x384xf32, #tpu.memory_space<hbm>> -> memref<100000x384xf32, #tpu.memory_space<hbm>>
    tpu.wait_indirect_dma semaphore(%arg7 : memref<!tpu.dma_semaphore, #tpu.memory_space<semaphore_mem>>) src(%dma_wait3A_375 : memref<100000x384xf32, #tpu.memory_space<hbm>>) dst(%dma_wait3A_369 : memref<120x384xf32, #tpu.memory_space<vmem>>)
    %dma_wait3A_376 = arith.constant 0 : i32
    %dma_wait3A_377 = arith.constant 0 : i32
    %dma_wait3A_378 = arith.constant 0 : i32
    %dma_wait3A_379 = tpu.memref_slice %arg6[%dma_wait3A_376, %dma_wait3A_377, %dma_wait3A_378] : memref<2x120x384xf32, #tpu.memory_space<vmem>> -> memref<1x120x384xf32, #tpu.memory_space<vmem>>
    %dma_wait3A_380 = tpu.memref_squeeze %dma_wait3A_379 : memref<1x120x384xf32, #tpu.memory_space<vmem>> -> memref<120x384xf32, #tpu.memory_space<vmem>>
    %dma_wait3A_381 = arith.constant 0 : i32
    %dma_wait3A_382 = tpu.memref_slice %arg4[%add3A_350, %dma_wait3A_381] : memref<30720x384xf32, #tpu.memory_space<hbm>> -> memref<120x384xf32, #tpu.memory_space<hbm>>
    %dma_wait3A_383 = arith.constant 0 : i32
    %dma_wait3A_384 = tpu.memref_slice %arg4[%add3A_350, %dma_wait3A_383] : memref<30720x384xf32, #tpu.memory_space<hbm>> -> memref<120x384xf32, #tpu.memory_space<hbm>>
    %dma_wait3A_385 = arith.constant 0 : i32
    %dma_wait3A_386 = arith.constant 0 : i32
    %dma_wait3A_387 = tpu.memref_slice %arg6[%dma_wait3A_376, %dma_wait3A_385, %dma_wait3A_386] : memref<2x120x384xf32, #tpu.memory_space<vmem>> -> memref<1x120x384xf32, #tpu.memory_space<vmem>>
    %dma_wait3A_388 = tpu.memref_squeeze %dma_wait3A_387 : memref<1x120x384xf32, #tpu.memory_space<vmem>> -> memref<120x384xf32, #tpu.memory_space<vmem>>
    tpu.wait_dma2 semaphore(%arg8 : memref<!tpu.dma_semaphore, #tpu.memory_space<semaphore_mem>>) src(%dma_wait3A_388 : memref<120x384xf32, #tpu.memory_space<vmem>>) dst(%dma_wait3A_384 : memref<120x384xf32, #tpu.memory_space<hbm>>)
    %add3A_389 = arith.constant 840 : i32
    %add3A_390 = arith.addi %mul3A_2, %add3A_389 : i32
    %dma_start3A_391 = arith.constant 1 : i32
    %dma_start3A_392 = arith.constant 0 : i32
    %dma_start3A_393 = arith.constant 0 : i32
    %dma_start3A_394 = tpu.memref_slice %arg6[%dma_start3A_391, %dma_start3A_392, %dma_start3A_393] : memref<2x120x384xf32, #tpu.memory_space<vmem>> -> memref<1x120x384xf32, #tpu.memory_space<vmem>>
    %dma_start3A_395 = tpu.memref_squeeze %dma_start3A_394 : memref<1x120x384xf32, #tpu.memory_space<vmem>> -> memref<120x384xf32, #tpu.memory_space<vmem>>
    %dma_start3A_396 = arith.constant 0 : i32
    %dma_start3A_397 = tpu.memref_slice %arg4[%add3A_390, %dma_start3A_396] : memref<30720x384xf32, #tpu.memory_space<hbm>> -> memref<120x384xf32, #tpu.memory_space<hbm>>
    %dma_start3A_398 = arith.constant 0 : i32
    %dma_start3A_399 = tpu.memref_slice %arg4[%add3A_390, %dma_start3A_398] : memref<30720x384xf32, #tpu.memory_space<hbm>> -> memref<120x384xf32, #tpu.memory_space<hbm>>
    %dma_start3A_400 = arith.constant 0 : i32
    %dma_start3A_401 = arith.constant 0 : i32
    %dma_start3A_402 = tpu.memref_slice %arg6[%dma_start3A_391, %dma_start3A_400, %dma_start3A_401] : memref<2x120x384xf32, #tpu.memory_space<vmem>> -> memref<1x120x384xf32, #tpu.memory_space<vmem>>
    %dma_start3A_403 = tpu.memref_squeeze %dma_start3A_402 : memref<1x120x384xf32, #tpu.memory_space<vmem>> -> memref<120x384xf32, #tpu.memory_space<vmem>>
    tpu.enqueue_dma source(%dma_start3A_403 : memref<120x384xf32, #tpu.memory_space<vmem>>) target(%dma_start3A_399 : memref<120x384xf32, #tpu.memory_space<hbm>>) target_semaphore(%arg8 : memref<!tpu.dma_semaphore, #tpu.memory_space<semaphore_mem>>)
    %dma_wait3A_404 = arith.constant 1 : i32
    %dma_wait3A_405 = arith.constant 0 : i32
    %dma_wait3A_406 = arith.constant 0 : i32
    %dma_wait3A_407 = tpu.memref_slice %arg6[%dma_wait3A_404, %dma_wait3A_405, %dma_wait3A_406] : memref<2x120x384xf32, #tpu.memory_space<vmem>> -> memref<1x120x384xf32, #tpu.memory_space<vmem>>
    %dma_wait3A_408 = tpu.memref_squeeze %dma_wait3A_407 : memref<1x120x384xf32, #tpu.memory_space<vmem>> -> memref<120x384xf32, #tpu.memory_space<vmem>>
    %dma_wait3A_409 = arith.constant 0 : i32
    %dma_wait3A_410 = tpu.memref_slice %arg4[%add3A_390, %dma_wait3A_409] : memref<30720x384xf32, #tpu.memory_space<hbm>> -> memref<120x384xf32, #tpu.memory_space<hbm>>
    %dma_wait3A_411 = arith.constant 0 : i32
    %dma_wait3A_412 = tpu.memref_slice %arg4[%add3A_390, %dma_wait3A_411] : memref<30720x384xf32, #tpu.memory_space<hbm>> -> memref<120x384xf32, #tpu.memory_space<hbm>>
    %dma_wait3A_413 = arith.constant 0 : i32
    %dma_wait3A_414 = arith.constant 0 : i32
    %dma_wait3A_415 = tpu.memref_slice %arg6[%dma_wait3A_404, %dma_wait3A_413, %dma_wait3A_414] : memref<2x120x384xf32, #tpu.memory_space<vmem>> -> memref<1x120x384xf32, #tpu.memory_space<vmem>>
    %dma_wait3A_416 = tpu.memref_squeeze %dma_wait3A_415 : memref<1x120x384xf32, #tpu.memory_space<vmem>> -> memref<120x384xf32, #tpu.memory_space<vmem>>
    tpu.wait_dma2 semaphore(%arg8 : memref<!tpu.dma_semaphore, #tpu.memory_space<semaphore_mem>>) src(%dma_wait3A_416 : memref<120x384xf32, #tpu.memory_space<vmem>>) dst(%dma_wait3A_412 : memref<120x384xf32, #tpu.memory_space<hbm>>)
    return
  }
}

module attributes {stable_mosaic.version = 14 : i64} {
  func.func @_tp_body(%arg0: i32, %arg1: memref<300x4096xf32, #tpu.memory_space<vmem>>, %arg2: memref<4096x384xf32, #tpu.memory_space<vmem>>) attributes {dimension_semantics = [#tpu.dimension_semantics<arbitrary>], iteration_bounds = array<i64: 25>, scalar_prefetch = 0 : i64, scratch_operands = 0 : i64, tpu.core_type = #tpu.core_type<tc>, window_params = [{transform_indices = @transform_0, window_bounds = array<i64: 300, 4096>}, {transform_indices = @transform_1, window_bounds = array<i64: 4096, 384>}]} {
    %get3A = arith.constant 0 : index
    %get3A_0 = arith.constant 0 : index
    %get3A_1 = vector.load %arg1[%get3A, %get3A_0] : memref<300x4096xf32, #tpu.memory_space<vmem>>, vector<300x4096xf32>
    %transpose3A = tpu.transpose %get3A_1, [1, 0] : vector<300x4096xf32> -> vector<4096x300xf32>
    %swap3A = arith.constant 0 : index
    %swap3A_2 = arith.constant 0 : index
    %swap3A_3 = vector.load %arg2[%swap3A, %swap3A_2] : memref<4096x384xf32, #tpu.memory_space<vmem>>, vector<4096x300xf32>
    tpu.vector_store %arg2[%swap3A, %swap3A_2], %transpose3A {strides = array<i32>} : memref<4096x384xf32, #tpu.memory_space<vmem>>, vector<4096x300xf32>,
    %broadcast_in_dim3A = arith.constant 0.000000e+00 : f32
    %broadcast_in_dim3A_4 = vector.broadcast %broadcast_in_dim3A : f32 to vector<4096x84xf32>
    %swap3A_5 = arith.constant 0 : index
    %swap3A_6 = arith.constant 300 : index
    %swap3A_7 = vector.load %arg2[%swap3A_5, %swap3A_6] : memref<4096x384xf32, #tpu.memory_space<vmem>>, vector<4096x84xf32>
    tpu.vector_store %arg2[%swap3A_5, %swap3A_6], %broadcast_in_dim3A_4 {strides = array<i32>} : memref<4096x384xf32, #tpu.memory_space<vmem>>, vector<4096x84xf32>,
    return
  }
  func.func @transform_0(%arg0: i32) -> (i32, i32) {
    %c0_i32 = arith.constant 0 : i32
    %c0_i32_0 = arith.constant 0 : i32
    return %c0_i32, %arg0 : i32, i32
  }
  func.func @transform_1(%arg0: i32) -> (i32, i32) {
    %c0_i32 = arith.constant 0 : i32
    %c0_i32_0 = arith.constant 0 : i32
    return %arg0, %c0_i32 : i32, i32
  }
}

module attributes {stable_mosaic.version = 14 : i64} {
  func.func @_tc_body(%arg0: i32, %arg1: i32, %arg2: memref<1x1024x2048xf32, #tpu.memory_space<vmem>>, %arg3: memref<300x2048xbf16, #tpu.memory_space<vmem>>, %arg4: memref<300x1xf32, #tpu.memory_space<vmem>>, %arg5: memref<1x1024x384xf32, #tpu.memory_space<vmem>>, %arg6: memref<1x300x1xf32, #tpu.memory_space<vmem>>, %arg7: memref<1x1x1024xi32, #tpu.memory_space<vmem>>, %arg8: memref<300x8xf32, #tpu.memory_space<vmem>>, %arg9: memref<300x1xf32, #tpu.memory_space<vmem>>, %arg10: memref<300x1xf32, #tpu.memory_space<vmem>>, %arg11: memref<1x300x1024xf32, #tpu.memory_space<vmem>>) attributes {dimension_semantics = [#tpu.dimension_semantics<arbitrary>, #tpu.dimension_semantics<arbitrary>], iteration_bounds = array<i64: 50, 1>, scalar_prefetch = 0 : i64, scratch_operands = 0 : i64, tpu.core_type = #tpu.core_type<tc>, window_params = [{transform_indices = @transform_0, window_bounds = array<i64: 1, 1024, 2048>}, {pipeline_mode = #tpu.pipeline_mode<synchronous>, transform_indices = @transform_1, window_bounds = array<i64: 300, 2048>}, {pipeline_mode = #tpu.pipeline_mode<synchronous>, transform_indices = @transform_2, window_bounds = array<i64: 300, 1>}, {transform_indices = @transform_3, window_bounds = array<i64: 1, 1024, 384>}, {transform_indices = @transform_4, window_bounds = array<i64: 1, 300, 1>}, {transform_indices = @transform_5, window_bounds = array<i64: 1, 1, 1024>}, {pipeline_mode = #tpu.pipeline_mode<synchronous>, transform_indices = @transform_6, window_bounds = array<i64: 300, 8>}, {pipeline_mode = #tpu.pipeline_mode<synchronous>, transform_indices = @transform_7, window_bounds = array<i64: 300, 1>}, {pipeline_mode = #tpu.pipeline_mode<synchronous>, transform_indices = @transform_8, window_bounds = array<i64: 300, 1>}, {transform_indices = @transform_9, window_bounds = array<i64: 1, 300, 1024>}]} {
    %lt3A = arith.constant 20 : i32
    %lt3A_0 = arith.cmpi slt, %arg0, %lt3A : i32
    %convert_element_type3A = arith.extui %lt3A_0 : i1 to i32
    %cond3A = arith.constant 0 : i32
    %cond3A_1 = arith.cmpi ne, %convert_element_type3A, %cond3A : i32
    scf.if %cond3A_1 {
      %get3A = arith.constant 0 : index
      %get3A_6 = arith.constant 0 : index
      %get3A_7 = arith.constant 0 : index
      %get3A_8 = vector.load %arg2[%get3A, %get3A_6, %get3A_7] : memref<1x1024x2048xf32, #tpu.memory_space<vmem>>, vector<1x1024x2048xf32>
      %convert_element_type3A_9 = arith.truncf %get3A_8 : vector<1x1024x2048xf32> to vector<1x1024x2048xbf16>
      %reshape3A = vector.shape_cast %convert_element_type3A_9 : vector<1x1024x2048xbf16> to vector<1024x2048xbf16>
      %get3A_10 = arith.constant 0 : index
      %get3A_11 = arith.constant 0 : index
      %get3A_12 = vector.load %arg3[%get3A_10, %get3A_11] : memref<300x2048xbf16, #tpu.memory_space<vmem>>, vector<300x2048xbf16>
      %dot_general3A = arith.constant dense<0.000000e+00> : vector<300x1024xf32>
      %dot_general3A_13 = tpu.matmul %get3A_12, %reshape3A, %dot_general3A {dimension_numbers = #tpu.dot_dimension_numbers<[1], [1], [0], [0], [0, 0, 1, 0], [], []>, transpose_lhs_hint = false} : vector<300x2048xbf16>, vector<1024x2048xbf16>, vector<300x1024xf32> -> vector<300x1024xf32>
      %get3A_14 = arith.constant 0 : index
      %get3A_15 = arith.constant 0 : index
      %get3A_16 = vector.load %arg4[%get3A_14, %get3A_15] : memref<300x1xf32, #tpu.memory_space<vmem>>, vector<300x1xf32>
      %add3A = vector.broadcast %get3A_16 : vector<300x1xf32> to vector<300x1024xf32>
      %add3A_17 = arith.addf %dot_general3A_13, %add3A : vector<300x1024xf32>
      %get3A_18 = arith.constant 0 : index
      %get3A_19 = arith.constant 0 : index
      %get3A_20 = arith.constant 0 : index
      %get3A_21 = vector.load %arg6[%get3A_18, %get3A_19, %get3A_20] : memref<1x300x1xf32, #tpu.memory_space<vmem>>, vector<1x300x1xf32>
      %reshape3A_22 = vector.shape_cast %get3A_21 : vector<1x300x1xf32> to vector<300x1xf32>
      %add3A_23 = vector.broadcast %reshape3A_22 : vector<300x1xf32> to vector<300x1024xf32>
      %add3A_24 = arith.addf %add3A_17, %add3A_23 : vector<300x1024xf32>
      %get3A_25 = arith.constant 0 : index
      %get3A_26 = arith.constant 0 : index
      %get3A_27 = arith.constant 0 : index
      %get3A_28 = vector.load %arg7[%get3A_25, %get3A_26, %get3A_27] : memref<1x1x1024xi32, #tpu.memory_space<vmem>>, vector<1x1x1024xi32>
      %reshape3A_29 = vector.shape_cast %get3A_28 : vector<1x1x1024xi32> to vector<1x1024xi32>
      %get3A_30 = arith.constant 0 : index
      %get3A_31 = arith.constant 0 : index
      %get3A_32 = vector.load %arg8[%get3A_30, %get3A_31] : memref<300x8xf32, #tpu.memory_space<vmem>>, vector<300x8xf32>
      %eq3A = arith.constant 0 : i32
      %eq3A_33 = vector.broadcast %eq3A : i32 to vector<1x1024xi32>
      %eq3A_34 = arith.cmpi eq, %reshape3A_29, %eq3A_33 : vector<1x1024xi32>
      %slice3A = vector.extract_strided_slice %get3A_32 {offsets = [0, 0], sizes = [300, 1], strides = [1, 1]} : vector<300x8xf32> to vector<300x1xf32>
      %eq3A_35 = arith.constant 1 : i32
      %eq3A_36 = vector.broadcast %eq3A_35 : i32 to vector<1x1024xi32>
      %eq3A_37 = arith.cmpi eq, %reshape3A_29, %eq3A_36 : vector<1x1024xi32>
      %slice3A_38 = vector.extract_strided_slice %get3A_32 {offsets = [0, 1], sizes = [300, 1], strides = [1, 1]} : vector<300x8xf32> to vector<300x1xf32>
      %slice3A_39 = vector.extract_strided_slice %get3A_32 {offsets = [0, 2], sizes = [300, 1], strides = [1, 1]} : vector<300x8xf32> to vector<300x1xf32>
      %broadcast_in_dim3A = vector.shape_cast %eq3A_37 : vector<1x1024xi1> to vector<1x1024xi1>
      %broadcast_in_dim3A_40 = vector.broadcast %broadcast_in_dim3A : vector<1x1024xi1> to vector<300x1024xi1>
      %broadcast_in_dim3A_41 = vector.shape_cast %slice3A_38 : vector<300x1xf32> to vector<300x1xf32>
      %broadcast_in_dim3A_42 = vector.broadcast %broadcast_in_dim3A_41 : vector<300x1xf32> to vector<300x1024xf32>
      %broadcast_in_dim3A_43 = vector.shape_cast %slice3A_39 : vector<300x1xf32> to vector<300x1xf32>
      %broadcast_in_dim3A_44 = vector.broadcast %broadcast_in_dim3A_43 : vector<300x1xf32> to vector<300x1024xf32>
      %select_n3A = arith.select %broadcast_in_dim3A_40, %broadcast_in_dim3A_42, %broadcast_in_dim3A_44 : vector<300x1024xi1>, vector<300x1024xf32>
      %broadcast_in_dim3A_45 = vector.shape_cast %eq3A_34 : vector<1x1024xi1> to vector<1x1024xi1>
      %broadcast_in_dim3A_46 = vector.broadcast %broadcast_in_dim3A_45 : vector<1x1024xi1> to vector<300x1024xi1>
      %broadcast_in_dim3A_47 = vector.shape_cast %slice3A : vector<300x1xf32> to vector<300x1xf32>
      %broadcast_in_dim3A_48 = vector.broadcast %broadcast_in_dim3A_47 : vector<300x1xf32> to vector<300x1024xf32>
      %select_n3A_49 = arith.select %broadcast_in_dim3A_46, %broadcast_in_dim3A_48, %select_n3A : vector<300x1024xi1>, vector<300x1024xf32>
      %add3A_50 = arith.addf %add3A_24, %select_n3A_49 : vector<300x1024xf32>
      %reduce_sum3A = arith.constant dense<0.000000e+00> : vector<1024xf32>
      %reduce_sum3A_51 = vector.multi_reduction <add>, %add3A_50, %reduce_sum3A [0] : vector<300x1024xf32> to vector<1024xf32>
      %broadcast_in_dim3A_52 = vector.shape_cast %reduce_sum3A_51 : vector<1024xf32> to vector<1x1024xf32>
      %div3A = arith.constant 3.000000e+02 : f32
      %div3A_53 = vector.broadcast %div3A : f32 to vector<1x1024xf32>
      %div3A_54 = arith.divf %broadcast_in_dim3A_52, %div3A_53 : vector<1x1024xf32>
      %sub3A = vector.broadcast %div3A_54 : vector<1x1024xf32> to vector<300x1024xf32>
      %sub3A_55 = arith.subf %add3A_50, %sub3A : vector<300x1024xf32>
      %mul3A = arith.mulf %sub3A_55, %sub3A_55 : vector<300x1024xf32>
      %reduce_sum3A_56 = arith.constant dense<0.000000e+00> : vector<1024xf32>
      %reduce_sum3A_57 = vector.multi_reduction <add>, %mul3A, %reduce_sum3A_56 [0] : vector<300x1024xf32> to vector<1024xf32>
      %broadcast_in_dim3A_58 = vector.shape_cast %reduce_sum3A_57 : vector<1024xf32> to vector<1x1024xf32>
      %div3A_59 = arith.constant 3.000000e+02 : f32
      %div3A_60 = vector.broadcast %div3A_59 : f32 to vector<1x1024xf32>
      %div3A_61 = arith.divf %broadcast_in_dim3A_58, %div3A_60 : vector<1x1024xf32>
      %add3A_62 = arith.constant 9.99999974E-6 : f32
      %add3A_63 = vector.broadcast %add3A_62 : f32 to vector<1x1024xf32>
      %add3A_64 = arith.addf %div3A_61, %add3A_63 : vector<1x1024xf32>
      %rsqrt3A = math.rsqrt %add3A_64 : vector<1x1024xf32>
      %mul3A_65 = vector.broadcast %rsqrt3A : vector<1x1024xf32> to vector<300x1024xf32>
      %mul3A_66 = arith.mulf %sub3A_55, %mul3A_65 : vector<300x1024xf32>
      %get3A_67 = arith.constant 0 : index
      %get3A_68 = arith.constant 0 : index
      %get3A_69 = vector.load %arg9[%get3A_67, %get3A_68] : memref<300x1xf32, #tpu.memory_space<vmem>>, vector<300x1xf32>
      %mul3A_70 = vector.broadcast %get3A_69 : vector<300x1xf32> to vector<300x1024xf32>
      %mul3A_71 = arith.mulf %mul3A_66, %mul3A_70 : vector<300x1024xf32>
      %get3A_72 = arith.constant 0 : index
      %get3A_73 = arith.constant 0 : index
      %get3A_74 = vector.load %arg10[%get3A_72, %get3A_73] : memref<300x1xf32, #tpu.memory_space<vmem>>, vector<300x1xf32>
      %add3A_75 = vector.broadcast %get3A_74 : vector<300x1xf32> to vector<300x1024xf32>
      %add3A_76 = arith.addf %mul3A_71, %add3A_75 : vector<300x1024xf32>
      %broadcast_in_dim3A_77 = vector.shape_cast %add3A_76 : vector<300x1024xf32> to vector<1x300x1024xf32>
      %swap3A = arith.constant 0 : index
      %swap3A_78 = arith.constant 0 : index
      %swap3A_79 = arith.constant 0 : index
      %swap3A_80 = vector.load %arg11[%swap3A, %swap3A_78, %swap3A_79] : memref<1x300x1024xf32, #tpu.memory_space<vmem>>, vector<1x300x1024xf32>
      tpu.vector_store %arg11[%swap3A, %swap3A_78, %swap3A_79], %broadcast_in_dim3A_77 {strides = array<i32>} : memref<1x300x1024xf32, #tpu.memory_space<vmem>>, vector<1x300x1024xf32>,
    } else {
    }
    %ge3A = arith.constant 20 : i32
    %ge3A_2 = arith.cmpi sge, %arg0, %ge3A : i32
    %convert_element_type3A_3 = arith.extui %ge3A_2 : i1 to i32
    %cond3A_4 = arith.constant 0 : i32
    %cond3A_5 = arith.cmpi ne, %convert_element_type3A_3, %cond3A_4 : i32
    scf.if %cond3A_5 {
      %get3A = arith.constant 0 : index
      %get3A_6 = arith.constant 0 : index
      %get3A_7 = arith.constant 0 : index
      %get3A_8 = vector.load %arg5[%get3A, %get3A_6, %get3A_7] : memref<1x1024x384xf32, #tpu.memory_space<vmem>>, vector<1x1024x384xf32>
      %reshape3A = vector.shape_cast %get3A_8 : vector<1x1024x384xf32> to vector<1024x384xf32>
      %transpose3A = tpu.transpose %reshape3A, [1, 0] : vector<1024x384xf32> -> vector<384x1024xf32>
      %slice3A = vector.extract_strided_slice %transpose3A {offsets = [0, 0], sizes = [300, 1024], strides = [1, 1]} : vector<384x1024xf32> to vector<300x1024xf32>
      %get3A_9 = arith.constant 0 : index
      %get3A_10 = arith.constant 0 : index
      %get3A_11 = arith.constant 0 : index
      %get3A_12 = vector.load %arg6[%get3A_9, %get3A_10, %get3A_11] : memref<1x300x1xf32, #tpu.memory_space<vmem>>, vector<1x300x1xf32>
      %reshape3A_13 = vector.shape_cast %get3A_12 : vector<1x300x1xf32> to vector<300x1xf32>
      %add3A = vector.broadcast %reshape3A_13 : vector<300x1xf32> to vector<300x1024xf32>
      %add3A_14 = arith.addf %slice3A, %add3A : vector<300x1024xf32>
      %get3A_15 = arith.constant 0 : index
      %get3A_16 = arith.constant 0 : index
      %get3A_17 = arith.constant 0 : index
      %get3A_18 = vector.load %arg7[%get3A_15, %get3A_16, %get3A_17] : memref<1x1x1024xi32, #tpu.memory_space<vmem>>, vector<1x1x1024xi32>
      %reshape3A_19 = vector.shape_cast %get3A_18 : vector<1x1x1024xi32> to vector<1x1024xi32>
      %get3A_20 = arith.constant 0 : index
      %get3A_21 = arith.constant 0 : index
      %get3A_22 = vector.load %arg8[%get3A_20, %get3A_21] : memref<300x8xf32, #tpu.memory_space<vmem>>, vector<300x8xf32>
      %eq3A = arith.constant 0 : i32
      %eq3A_23 = vector.broadcast %eq3A : i32 to vector<1x1024xi32>
      %eq3A_24 = arith.cmpi eq, %reshape3A_19, %eq3A_23 : vector<1x1024xi32>
      %slice3A_25 = vector.extract_strided_slice %get3A_22 {offsets = [0, 0], sizes = [300, 1], strides = [1, 1]} : vector<300x8xf32> to vector<300x1xf32>
      %eq3A_26 = arith.constant 1 : i32
      %eq3A_27 = vector.broadcast %eq3A_26 : i32 to vector<1x1024xi32>
      %eq3A_28 = arith.cmpi eq, %reshape3A_19, %eq3A_27 : vector<1x1024xi32>
      %slice3A_29 = vector.extract_strided_slice %get3A_22 {offsets = [0, 1], sizes = [300, 1], strides = [1, 1]} : vector<300x8xf32> to vector<300x1xf32>
      %slice3A_30 = vector.extract_strided_slice %get3A_22 {offsets = [0, 2], sizes = [300, 1], strides = [1, 1]} : vector<300x8xf32> to vector<300x1xf32>
      %broadcast_in_dim3A = vector.shape_cast %eq3A_28 : vector<1x1024xi1> to vector<1x1024xi1>
      %broadcast_in_dim3A_31 = vector.broadcast %broadcast_in_dim3A : vector<1x1024xi1> to vector<300x1024xi1>
      %broadcast_in_dim3A_32 = vector.shape_cast %slice3A_29 : vector<300x1xf32> to vector<300x1xf32>
      %broadcast_in_dim3A_33 = vector.broadcast %broadcast_in_dim3A_32 : vector<300x1xf32> to vector<300x1024xf32>
      %broadcast_in_dim3A_34 = vector.shape_cast %slice3A_30 : vector<300x1xf32> to vector<300x1xf32>
      %broadcast_in_dim3A_35 = vector.broadcast %broadcast_in_dim3A_34 : vector<300x1xf32> to vector<300x1024xf32>
      %select_n3A = arith.select %broadcast_in_dim3A_31, %broadcast_in_dim3A_33, %broadcast_in_dim3A_35 : vector<300x1024xi1>, vector<300x1024xf32>
      %broadcast_in_dim3A_36 = vector.shape_cast %eq3A_24 : vector<1x1024xi1> to vector<1x1024xi1>
      %broadcast_in_dim3A_37 = vector.broadcast %broadcast_in_dim3A_36 : vector<1x1024xi1> to vector<300x1024xi1>
      %broadcast_in_dim3A_38 = vector.shape_cast %slice3A_25 : vector<300x1xf32> to vector<300x1xf32>
      %broadcast_in_dim3A_39 = vector.broadcast %broadcast_in_dim3A_38 : vector<300x1xf32> to vector<300x1024xf32>
      %select_n3A_40 = arith.select %broadcast_in_dim3A_37, %broadcast_in_dim3A_39, %select_n3A : vector<300x1024xi1>, vector<300x1024xf32>
      %add3A_41 = arith.addf %add3A_14, %select_n3A_40 : vector<300x1024xf32>
      %reduce_sum3A = arith.constant dense<0.000000e+00> : vector<1024xf32>
      %reduce_sum3A_42 = vector.multi_reduction <add>, %add3A_41, %reduce_sum3A [0] : vector<300x1024xf32> to vector<1024xf32>
      %broadcast_in_dim3A_43 = vector.shape_cast %reduce_sum3A_42 : vector<1024xf32> to vector<1x1024xf32>
      %div3A = arith.constant 3.000000e+02 : f32
      %div3A_44 = vector.broadcast %div3A : f32 to vector<1x1024xf32>
      %div3A_45 = arith.divf %broadcast_in_dim3A_43, %div3A_44 : vector<1x1024xf32>
      %sub3A = vector.broadcast %div3A_45 : vector<1x1024xf32> to vector<300x1024xf32>
      %sub3A_46 = arith.subf %add3A_41, %sub3A : vector<300x1024xf32>
      %mul3A = arith.mulf %sub3A_46, %sub3A_46 : vector<300x1024xf32>
      %reduce_sum3A_47 = arith.constant dense<0.000000e+00> : vector<1024xf32>
      %reduce_sum3A_48 = vector.multi_reduction <add>, %mul3A, %reduce_sum3A_47 [0] : vector<300x1024xf32> to vector<1024xf32>
      %broadcast_in_dim3A_49 = vector.shape_cast %reduce_sum3A_48 : vector<1024xf32> to vector<1x1024xf32>
      %div3A_50 = arith.constant 3.000000e+02 : f32
      %div3A_51 = vector.broadcast %div3A_50 : f32 to vector<1x1024xf32>
      %div3A_52 = arith.divf %broadcast_in_dim3A_49, %div3A_51 : vector<1x1024xf32>
      %add3A_53 = arith.constant 9.99999974E-6 : f32
      %add3A_54 = vector.broadcast %add3A_53 : f32 to vector<1x1024xf32>
      %add3A_55 = arith.addf %div3A_52, %add3A_54 : vector<1x1024xf32>
      %rsqrt3A = math.rsqrt %add3A_55 : vector<1x1024xf32>
      %mul3A_56 = vector.broadcast %rsqrt3A : vector<1x1024xf32> to vector<300x1024xf32>
      %mul3A_57 = arith.mulf %sub3A_46, %mul3A_56 : vector<300x1024xf32>
      %get3A_58 = arith.constant 0 : index
      %get3A_59 = arith.constant 0 : index
      %get3A_60 = vector.load %arg9[%get3A_58, %get3A_59] : memref<300x1xf32, #tpu.memory_space<vmem>>, vector<300x1xf32>
      %mul3A_61 = vector.broadcast %get3A_60 : vector<300x1xf32> to vector<300x1024xf32>
      %mul3A_62 = arith.mulf %mul3A_57, %mul3A_61 : vector<300x1024xf32>
      %get3A_63 = arith.constant 0 : index
      %get3A_64 = arith.constant 0 : index
      %get3A_65 = vector.load %arg10[%get3A_63, %get3A_64] : memref<300x1xf32, #tpu.memory_space<vmem>>, vector<300x1xf32>
      %add3A_66 = vector.broadcast %get3A_65 : vector<300x1xf32> to vector<300x1024xf32>
      %add3A_67 = arith.addf %mul3A_62, %add3A_66 : vector<300x1024xf32>
      %broadcast_in_dim3A_68 = vector.shape_cast %add3A_67 : vector<300x1024xf32> to vector<1x300x1024xf32>
      %swap3A = arith.constant 0 : index
      %swap3A_69 = arith.constant 0 : index
      %swap3A_70 = arith.constant 0 : index
      %swap3A_71 = vector.load %arg11[%swap3A, %swap3A_69, %swap3A_70] : memref<1x300x1024xf32, #tpu.memory_space<vmem>>, vector<1x300x1024xf32>
      tpu.vector_store %arg11[%swap3A, %swap3A_69, %swap3A_70], %broadcast_in_dim3A_68 {strides = array<i32>} : memref<1x300x1024xf32, #tpu.memory_space<vmem>>, vector<1x300x1024xf32>,
    } else {
    }
    return
  }
  func.func @transform_0(%arg0: i32, %arg1: i32) -> (i32, i32, i32) {
    %min3A = arith.constant 19 : i32
    %min3A_0 = arith.minsi %arg0, %min3A : i32
    %c0_i32 = arith.constant 0 : i32
    %c0_i32_1 = arith.constant 0 : i32
    return %min3A_0, %arg1, %c0_i32 : i32, i32, i32
  }
  func.func @transform_1(%arg0: i32, %arg1: i32) -> (i32, i32) {
    %c0_i32 = arith.constant 0 : i32
    %c0_i32_0 = arith.constant 0 : i32
    %c0_i32_1 = arith.constant 0 : i32
    return %c0_i32, %c0_i32_0 : i32, i32
  }
  func.func @transform_2(%arg0: i32, %arg1: i32) -> (i32, i32) {
    %c0_i32 = arith.constant 0 : i32
    %c0_i32_0 = arith.constant 0 : i32
    %c0_i32_1 = arith.constant 0 : i32
    return %c0_i32, %c0_i32_0 : i32, i32
  }
  func.func @transform_3(%arg0: i32, %arg1: i32) -> (i32, i32, i32) {
    %sub3A = arith.constant 20 : i32
    %sub3A_0 = arith.subi %arg0, %sub3A : i32
    %max3A = arith.constant 0 : i32
    %max3A_1 = arith.maxsi %sub3A_0, %max3A : i32
    %c0_i32 = arith.constant 0 : i32
    %c0_i32_2 = arith.constant 0 : i32
    return %max3A_1, %arg1, %c0_i32 : i32, i32, i32
  }
  func.func @transform_4(%arg0: i32, %arg1: i32) -> (i32, i32, i32) {
    %c0_i32 = arith.constant 0 : i32
    %c0_i32_0 = arith.constant 0 : i32
    %c0_i32_1 = arith.constant 0 : i32
    return %arg0, %c0_i32, %c0_i32_0 : i32, i32, i32
  }
  func.func @transform_5(%arg0: i32, %arg1: i32) -> (i32, i32, i32) {
    %c0_i32 = arith.constant 0 : i32
    %c0_i32_0 = arith.constant 0 : i32
    return %arg0, %c0_i32, %arg1 : i32, i32, i32
  }
  func.func @transform_6(%arg0: i32, %arg1: i32) -> (i32, i32) {
    %c0_i32 = arith.constant 0 : i32
    %c0_i32_0 = arith.constant 0 : i32
    %c0_i32_1 = arith.constant 0 : i32
    return %c0_i32, %c0_i32_0 : i32, i32
  }
  func.func @transform_7(%arg0: i32, %arg1: i32) -> (i32, i32) {
    %c0_i32 = arith.constant 0 : i32
    %c0_i32_0 = arith.constant 0 : i32
    %c0_i32_1 = arith.constant 0 : i32
    return %c0_i32, %c0_i32_0 : i32, i32
  }
  func.func @transform_8(%arg0: i32, %arg1: i32) -> (i32, i32) {
    %c0_i32 = arith.constant 0 : i32
    %c0_i32_0 = arith.constant 0 : i32
    %c0_i32_1 = arith.constant 0 : i32
    return %c0_i32, %c0_i32_0 : i32, i32
  }
  func.func @transform_9(%arg0: i32, %arg1: i32) -> (i32, i32, i32) {
    %c0_i32 = arith.constant 0 : i32
    %c0_i32_0 = arith.constant 0 : i32
    return %arg0, %c0_i32, %arg1 : i32, i32, i32
  }
}

</mosaic_0001>

<sc_bundles>
// kernel: kernel.5.cloned.1.call-start
scs
__scs_entry_jumppad:
0x0: {  	(pc) =	sbr.rel $0x88, $3  }
0x1: {  	(tag) =	ssettag $0x0;
	lr =	simm.s32 $0x1  }
0x2: {  	[smem:$0x3F97] =	sst lr;
	_ =	strace $0xD0000000  }
0x3: {  	_ = 	snop  }
0x4: {  	_ = 	snop  }
0x5: {  	_ = 	snop  }
0x6: {  	_ = 	snop  }
0x7: {  	_ = 	snop  }
__scs_overlays_trampoline_lowered:
0x8: {  	[smem:$0x3FA6] =	sst s0  }
0x9: {  	[smem:$0x3FA7] =	sst s1  }
0xa: {  	[smem:$0x3FA8] =	sst s2  }
0xb: {  	[smem:$0x3FA9] =	sst s3  }
0xc: {  	[smem:$0x3FAA] =	sst s4  }
0xd: {  	[smem:$0x3FAB] =	sst s5  }
0xe: {  	[smem:$0x3FAC] =	sst s6  }
0xf: {  	[smem:$0x3FAD] =	sst s7  }
0x10: {  	[smem:$0x3FAE] =	sst s8  }
0x11: {  	[smem:$0x3FAF] =	sst s9;
	s0 =	simm.s32 @!p0 $0x0  }
0x12: {  	s1 =	sld [smem:$0x3F95];
	s0 =	simm.s32 @p0 $0x1  }
0x13: {  	[smem:$0x3FB0] =	sst s0;
	s0 =	simm.s32 @!p1 $0x0  }
0x14: {  	s2 =	sld [smem:$0x3F94];
	s0 =	simm.s32 @p1 $0x1  }
0x15: {  	[smem:$0x3FB1] =	sst s0;
	s0 =	simm.s32 @!p2 $0x0  }
0x16: {  	s3 =	sld [smem:$0x3FDB];
	s0 =	simm.s32 @p2 $0x1  }
0x17: {  	s4 =	simm.s32 $0x1BF5;
	[smem:$0x3FB3] =	sst s0  }
0x18: {  	s0 =	sld [smem:$0x3F96];
	_ =	swait.ge [sflag:s4], $0x0  }
0x19: {  	s7 =	sld [smem:$0x3F97]  }
0x1a: {  	s8 =	sadd.s32 $0xFFFFE003, lr  }
0x1b: {  	s9 =	sadd.s32 $0xFFFFFEF7, lr;
	s5 =	simm.s32 $0xFFFFFFFF;
	p2 =	slt.u32 s8, $0xFFFFF086  }
0x1c: {  	p1 =	slt.u32 s9, $0xF7A;
	s5 =	simm.s32 @!p2 $0x0  }
0x1d: {  	s5 =	simm.s32 @p1 $0x1;
	p0 =	seq.s32 s7, s2  }
0x1e: {  	s7 =	smul.u32 @!p0 $0xF7A, s2;
	p2 =	seq.s32 @!p0 s5, $0x0  }
0x1f: {  	s9 =	smul.u32 $0xF7A, s1;
	s8 =	simm.s32 @!p0 $0x1BF5;
	p2 =	por !p2, p0  }
0x20: {  	[sflag:s8] =	ssyncset.s32 @!p0 $0xFFFFF086;
	s6 =	sadd.s32 @!p0 s3, s7;
	s7 =	simm.s32 @!p0 $0x108  }
0x21: {  	s3 =	sadd.s32 s3, s9;
	s6 =	sadd.s32 @!p0 $0x88, s6;
	s7 =	simm.s32 @p2 $0x1082  }
0x22: {  	[simem:s7], [sflag:s8] =	dma.local @!p0 [hbm:s6], $0xF7A  }
0x23: {  	s9 =	sor.u32 $0xD0000000, s2;
	s6 =	simm.s32 $0x108;
	_ =	swait.ge @!p0 [sflag:s8], $0x0  }
0x24: {  	s3 =	sadd.s32 $0x88, s3;
	s6 =	simm.s32 @!p1 $0x1082;
	[sflag:s4] =	ssyncset.s32 $0xFFFFF086  }
0x25: {  	[simem:s6], [sflag:s4] =	dma.local [hbm:s3], $0xF7A  }
0x26: {  	[smem:$0x3F97] =	sst s1;
	(tag) =	ssettag s2;
	_ =	strace s9  }
0x27: {  	s1 =	sld [smem:$0x3FA7]  }
0x28: {  	s2 =	sld [smem:$0x3FA8]  }
0x29: {  	s4 =	sld [smem:$0x3FAA]  }
0x2a: {  	p0 =	seq.s32 s5, $0x0;
	s5 =	sld [smem:$0x3FAB]  }
0x2b: {  	s6 =	sld [smem:$0x3FAC]  }
0x2c: {  	s7 =	sld [smem:$0x3FAD]  }
0x2d: {  	s3 =	simm.s32 $0x108;
	s8 =	sld [smem:$0x3FAE]  }
0x2e: {  	s3 =	simm.s32 @!p0 $0x1082;
	s9 =	sld [smem:$0x3FAF]  }
0x2f: {  	lr =	sadd.s32 s0, s3;
	s0 =	sld [smem:$0x3FA6]  }
0x30: {  	s3 =	sld [smem:$0x3FA9]  }
0x31: {  	[smem:$0x3FB2] =	sst s10  }
0x32: {  	s10 =	sld [smem:$0x3FB0];
	_ =	sdelay $0x3  }
0x33: {  	p0 =	seq.s32 s10, $0x1;
	s10 =	sld [smem:$0x3FB2];
	_ =	sdelay $0x3  }
0x34: {  	[smem:$0x3FB2] =	sst s10  }
0x35: {  	s10 =	sld [smem:$0x3FB1];
	_ =	sdelay $0x3  }
0x36: {  	p1 =	seq.s32 s10, $0x1;
	s10 =	sld [smem:$0x3FB2];
	_ =	sdelay $0x3  }
0x37: {  	[smem:$0x3FB2] =	sst s10  }
0x38: {  	s10 =	sld [smem:$0x3FB3]  }
0x39: {  	_ = 	snop;
	(pc) =	sbr.ind lr, $3  }
0x3a: {  	_ = 	snop  }
0x3b: {  	_ = 	snop  }
0x3c: {  	p2 =	seq.s32 s10, $0x1;
	s10 =	sld [smem:$0x3FB2]  }
0x3d: {  	_ =	shalt  }
0x3e: {  	_ =	shalt  }
0x3f: {  	_ =	shalt  }
0x40: {  	_ =	shalt  }
0x41: {  	_ =	shalt  }
0x42: {  	_ =	shalt  }
0x43: {  	_ =	shalt  }
0x44: {  	_ =	shalt  }
0x45: {  	_ =	shalt  }
0x46: {  	_ =	shalt  }
0x47: {  	_ =	shalt  }
0x48: {  	_ =	shalt  }
0x49: {  	_ =	shalt  }
0x4a: {  	_ =	shalt  }
0x4b: {  	_ =	shalt  }
0x4c: {  	_ =	shalt  }
0x4d: {  	_ =	shalt  }
0x4e: {  	_ =	shalt  }
0x4f: {  	_ =	shalt  }
0x50: {  	_ =	shalt  }
0x51: {  	_ =	shalt  }
0x52: {  	_ =	shalt  }
0x53: {  	_ =	shalt  }
0x54: {  	_ =	shalt  }
0x55: {  	_ =	shalt  }
0x56: {  	_ =	shalt  }
0x57: {  	_ =	shalt  }
0x58: {  	_ =	shalt  }
0x59: {  	_ =	shalt  }
0x5a: {  	_ =	shalt  }
0x5b: {  	_ =	shalt  }
0x5c: {  	_ =	shalt  }
0x5d: {  	_ =	shalt  }
0x5e: {  	_ =	shalt  }
0x5f: {  	_ =	shalt  }
0x60: {  	_ =	shalt  }
0x61: {  	_ =	shalt  }
0x62: {  	_ =	shalt  }
0x63: {  	_ =	shalt  }
0x64: {  	_ =	shalt  }
0x65: {  	_ =	shalt  }
0x66: {  	_ =	shalt  }
0x67: {  	_ =	shalt  }
0x68: {  	_ =	shalt  }
0x69: {  	_ =	shalt  }
0x6a: {  	_ =	shalt  }
0x6b: {  	_ =	shalt  }
0x6c: {  	_ =	shalt  }
0x6d: {  	_ =	shalt  }
0x6e: {  	_ =	shalt  }
0x6f: {  	_ =	shalt  }
0x70: {  	_ =	shalt  }
0x71: {  	_ =	shalt  }
0x72: {  	_ =	shalt  }
0x73: {  	_ =	shalt  }
0x74: {  	_ =	shalt  }
0x75: {  	_ =	shalt  }
0x76: {  	_ =	shalt  }
0x77: {  	_ =	shalt  }
0x78: {  	_ =	shalt  }
0x79: {  	_ =	shalt  }
0x7a: {  	_ =	shalt  }
0x7b: {  	_ =	shalt  }
0x7c: {  	_ =	shalt  }
0x7d: {  	_ =	shalt  }
0x7e: {  	_ =	shalt  }
0x7f: {  	_ =	shalt  }
0x80: {  	_ =	shalt  }
0x81: {  	_ =	shalt  }
0x82: {  	_ =	shalt  }
0x83: {  	_ =	shalt  }
0x84: {  	_ =	shalt  }
0x85: {  	_ =	shalt  }
0x86: {  	_ =	shalt  }
0x87: {  	_ =	shalt  }
.Lfunc_end0:
.L_simem_size_0:
called_computation_lowered:
.L_overlay_start_0:
0x88: {  	s2 =	sld [smem:$0x3FD9]  }
0x89: {  	s3 =	sld [smem:$0x3FFE];
	_ =	sdelay $0x1  }
0x8a: {  	s1 =	srdreg.scid  }
0x8b: {  	s0 =	sand.u32 $0x1, s1  }
0x8c: {  	s17 =	sshll.u32 s0, $0xA;
	s2 =	sadd.s32 s3, s2  }
0x8d: {  	s2 =	sadd.s32 s2, s17  }
0x8e: {  	[smem:$0x3FBE] =	sst s2  }
0x8f: {  	_ = 	snop  }
0x90: {  	s2 =	sld [smem:$0x3FD0];
	(tm) =	ssettm $0x1  }
0x91: {  	s18 =	sld [smem:$0x3FFB];
	_ =	sdelay $0x3  }
0x92: {  	_ =	strace s18  }
0x93: {  	s3 =	sld [smem:$0x3FFC];
	_ =	sdelay $0x3  }
0x94: {  	_ =	strace s3  }
0x95: {  	s3 =	sld [smem:$0x3FFD];
	_ =	sdelay $0x3  }
0x96: {  	_ =	strace s3  }
0x97: {  	_ =	strace $0x8FFFFFFF  }
0x98: {  	s19 =	sld [smem:$0x3FDB];
	_ =	sdelay $0x1  }
0x99: {  	s4 =	simm.s32 $_scs_section_size  }
0x9a: {  	s5 =	simm.s32 $_size__tile_overlayer_lowered;
	s6 =	simm.s32 $_tile_overlayer_lowered  }
0x9b: {  	s22 =	simm.s32 $0x1BFF;
	s21 =	sshll.u32 s6, $0x1;
	s3 =	sadd.s32 s4, s19  }
0x9c: {  	s7 =	simm.s32 $0x0;
	s20 =	sshll.u32 s5, $0x1;
	s5 =	sadd.s32 s21, s3  }
0x9d: {  	[timem:s7], [sflag:s22] =	dma.local [hbm:s5], s20  }
0x9e: {  	_ =	swait.ge [sflag:s22], s20  }
0x9f: {  	s4 =	ssub.s32 $0x0, s20;
	[sflag:s22] =	ssyncset.done $0x0  }
0xa0: {  	[sflag:s22] =	ssyncadd.s32 s4;
	_ =	sdelay $0x1  }
0xa1: {  	s23 =	simm.s32 $0x1B8B  }
0xa2: {  	_ =	swait.ge [sflag:s23], $0x1  }
0xa3: {  	[sflag:s23] =	ssyncset.done $0x0  }
0xa4: {  	s25 =	simm.s32 $0x1B8E;
	s24 =	sld [smem:$0x3FFE];
	[sflag:s23] =	ssyncadd.s32 $0xFFFFFFFF  }
0xa5: {  	s26 =	simm.s32 $execute0_lowered;
	[smem:$0x3FD2] =	sst s25  }
0xa6: {  	s5 =	sshll.u32 s26, $0x1;
	_ =	strace $0x80000046;
	[dreg:$0x1] =	wrdreg $0xFFFFFFFF  }
0xa7: {  	s28 =	simm.s32 $_size_execute0_lowered;
	s3 =	sadd.s32 s3, s5;
	[dreg:$0x0] =	wrdreg $0x0  }
0xa8: {  	s5 =	sshll.u32 s28, $0x1;
	[dreg:$0x2] =	wrdreg s3  }
0xa9: {  	[dreg:$0x3] =	wrdreg s5  }
0xaa: {  	[dreg:$0x4] =	wrdreg $0xC0  }
0xab: {  	_ =	task [dreg:s7], $0x5FFFF  }
0xac: {  	[dreg:$0x1] =	wrdreg $0xFFFFFFFF  }
0xad: {  	[dreg:$0x0] =	wrdreg $0x60  }
0xae: {  	[dreg:$0x2] =	wrdreg s2  }
0xaf: {  	[dreg:$0x3] =	wrdreg s24  }
0xb0: {  	[dreg:$0x4] =	wrdreg $0x9  }
0xb1: {  	_ =	task.clear_ibuf [dreg:s7], $0x5FFFF;
	_ =	strace $0x90000046  }
0xb2: {  	s29 =	simm.s32 $0x9;
	_ =	strace $0x80000048  }
0xb3: {  	_ =	swait.ge [sflag:s29], $0x1  }
0xb4: {  	[sflag:s29] =	ssyncadd.s32 $0xFFFFFFFF  }
0xb5: {  	_ =	strace $0x90000048  }
0xb6: {  	_ =	sfence  }
0xb7: {  	s30 =	sld [smem:$0x0];
	_ =	sdelay $0x2  }
0xb8: {  	s31 =	sshll.u32 s1, $0xD;
	s1 =	sshrl.u32 s1, $0x2  }
0xb9: {  	s3 =	sand.u32 $0x4000, s31;
	s1 =	sadd.s32 s1, s30  }
0xba: {  	s0 =	sor.u32 s3, s0;
	s1 =	sshll.u32 s1, $0x11  }
0xbb: {  	s0 =	sor.u32 s1, s0  }
0xbc: {  	s0 =	sadd.s32 $0x8F2B, s0  }
0xbd: {  	[sflag:s0] =	ssyncadd.remote.s32 $0x1  }
0xbe: {  	_ =	sfence.sel $0xFFFF  }
0xbf: {  	[dreg:$0x0] =	wrdreg $0xFFFFFFFF;
	(pc) =	sbr.abs _section_cstart, $3  }
0xc0: {  	[dreg:$0x1] =	wrdreg $0xFFFFFFFF  }
0xc1: {  	_ =	task.clear_ibuf [dreg:s7], $0x2FFFF;
	_ =	strace $0x9FFFFFFF  }
0xc2: {  	(tm) =	ssettm $0x7FFFFFFF  }
0xc3: {  	_ =	shalt  }
tec
execute0_lowered:
.L_overlay_start_1:
0x0: {  	(tag) =	ssettag $0x1  }
0x1: {  	s0 =	srdreg.scid;
	s4 =	rddreg [dreg:$0x0]  }
0x2: {  	s1 =	stileid.u32;
	s5 =	rddreg [dreg:$0x1];
	s2 =	simm.s32 $0x0  }
0x3: {  	s12 =	simm.s32 $0x1;
	s0 =	sand.u32 $0x1, s0;
	s1 =	sshll.u32 s1, $0x1  }
0x4: {  	[smem:$0x7FF] =	sst s2;
	s3 =	sadd.s32 $0x1400, s5;
	s1 =	sor.u32 s0, s1  }
0x5: {  	s9 =	sadd.s32 $0x495200, s5;
	s5 =	sadd.s32 $0x1500, s5;
	s6 =	smul.u32 $0x3C0, s1  }
0x6: {  	_ =	strace $0x80000047;
	s0 =	ssub.s32 $0x2, s0;
	s1 =	sshll.u32 s1, $0x7  }
0x7: {  	s1 =	sadd.s32 s4, s1;
	s7 =	sadd.s32 $0x78, s6;
	s8 =	sshrl.u32 s6, $0x3  }
0x8: {  	[dreg:$0x3] =	wrdreg s1;
	s7 =	sshrl.u32 s7, $0x3;
	s19 =	smul.u32 $0x180, s8  }
0x9: {  	s21 =	sadd.s32 $0x168, s6;
	s23 =	sadd.s32 $0x258, s6;
	s7 =	smul.u32 $0x180, s7  }
0xa: {  	s6 =	sadd.s32 $0x348, s6;
	s22 =	sshrl.u32 s21, $0x3;
	s8 =	sadd.s32 s9, s19  }
0xb: {  	s1 =	smul.u32 $0x180, s22;
	s20 =	sadd.s32 s9, s7;
	[dreg:$0xb] =	wrdreg s8  }
0xc: {  	s24 =	sshrl.u32 s23, $0x3;
	s4 =	sadd.s32 $0x2D00, s8;
	[dreg:$0x4] =	wrdreg s20  }
0xd: {  	s6 =	sshrl.u32 s6, $0x3;
	s1 =	sadd.s32 s9, s1;
	[dreg:$0x5] =	wrdreg s4  }
0xe: {  	s28 =	smul.u32 $0x180, s6;
	s25 =	sadd.s32 $0x5A00, s8;
	[dreg:$0x6] =	wrdreg s1  }
0xf: {  	s30 =	sadd.s32 $0x8700, s8;
	s4 =	smul.u32 $0x180, s24;
	[dreg:$0x7] =	wrdreg s25  }
0x10: {  	v2 =	vlaneseq.u32;
	s29 =	sshrl.u32 s0, $0x1;
	s31 =	sadd.s32 s9, s28;
	[dreg:$0x9] =	wrdreg s30  }
0x11: {  	vm0 =	vmmov $0xffff;
	vm1 =	vmmov $0xff;
	v1 =	vshrl.u32 v2, $0x3;
	s0 =	ssub.s32 s0, s29;
	[dreg:$0xa] =	wrdreg s31;
	s26 =	sadd.s32 s9, s4  }
0x12: {  	v0 =	vand.u32 $0x7, v2;
	v2 =	vor.u32 $0x8, v2;
	v1 =	vmul.u32 $0x8, v1;
	s6 =	smax.u32 s0, $0x1;
	s19 =	simm.s32 $0x2;
	[dreg:$0x8] =	wrdreg s26  }
.LBB2_1:
0x13: {  	s20 =	rddreg [dreg:$0x3];
	s14 =	simm.s32 $0x3  }
0x14: {  	[tilespmem:s2], [sflag:$0x3] =	stream.linear.gather [hbm4b:s20+s2], $0x400, $0x38;
	[tilespmem:$0x16C00] =	vst v63  }
0x15: {  	_ =	swait.ge [sflag:s14], $0x400  }
0x16: {  	[sflag:s14] =	ssyncset.done $0x0  }
0x17: {  	[sflag:s14] =	ssyncadd.s32 $0xFFFFFC00  }
0x18: {  	v3 =	vld [tilespmem:$0x0];
	_ =	sdelay $0x4  }
0x19: {  	v4 =	vshrl.u32 v3, $0x3  }
0x1a: {  	v4 =	vmul.u32 $0x18, v4  }
0x1b: {  	v3 =	vand.u32 $0x7, v3  }
0x1c: {  	v3 =	vor.u32 v3, v4  }
0x1d: {  	v4 =	vperm.xlane v3, v0;
	_ =	sdelay $0x1  }
0x1e: {  	v4 =	vadd.s32 v1, v4;
	_ =	sdelay $0x1  }
0x1f: {  	v3 =	vperm.xlane v3, v2;
	_ =	sdelay $0x1  }
0x20: {  	s0 =	simm.s32 $0x400;
	v3 =	vadd.s32 v1, v3  }
0x21: {  	[tilespmem:s0], [sflag:$0x1] =	stream.indirect_vreg.gather [hbm4b:s3+s2], $0x80, v4, vm0, $0xb8;
	[tilespmem:$0x16C00] =	vst v63  }
0x22: {  	s15 =	simm.s32 $0xC00  }
0x23: {  	[tilespmem:s15], [sflag:$0x1] =	stream.indirect_vreg.gather [hbm4b:s5+s2], $0x80, v4, vm1, $0xb8;
	[tilespmem:$0x16C00] =	vst v63  }
0x24: {  	s16 =	simm.s32 $0x1000  }
0x25: {  	[tilespmem:s16], [sflag:$0x1] =	stream.indirect_vreg.gather [hbm4b:s3+s2], $0x80, v3, vm0, $0xb8;
	[tilespmem:$0x16C00] =	vst v63  }
0x26: {  	s17 =	simm.s32 $0x1800  }
0x27: {  	[tilespmem:s17], [sflag:$0x1] =	stream.indirect_vreg.gather [hbm4b:s5+s2], $0x80, v3, vm1, $0xb8;
	[tilespmem:$0x16C00] =	vst v63  }
0x28: {  	v3 =	vld [tilespmem:$0x10];
	_ =	sdelay $0x4  }
0x29: {  	v57 =	vshrl.u32 v3, $0x3  }
0x2a: {  	v4 =	vmul.u32 $0x18, v57  }
0x2b: {  	v3 =	vand.u32 $0x7, v3  }
0x2c: {  	v3 =	vor.u32 v3, v4  }
0x2d: {  	v4 =	vperm.xlane v3, v0;
	_ =	sdelay $0x1  }
0x2e: {  	v4 =	vadd.s32 v1, v4;
	_ =	sdelay $0x1  }
0x2f: {  	v3 =	vperm.xlane v3, v2;
	_ =	sdelay $0x1  }
0x30: {  	s18 =	simm.s32 $0x1C00;
	v3 =	vadd.s32 v1, v3  }
0x31: {  	[tilespmem:s18], [sflag:$0x1] =	stream.indirect_vreg.gather [hbm4b:s3+s2], $0x80, v4, vm0, $0xb8;
	[tilespmem:$0x16C00] =	vst v63  }
0x32: {  	s20 =	simm.s32 $0x2400  }
0x33: {  	[tilespmem:s20], [sflag:$0x1] =	stream.indirect_vreg.gather [hbm4b:s5+s2], $0x80, v4, vm1, $0xb8;
	[tilespmem:$0x16C00] =	vst v63  }
0x34: {  	s21 =	simm.s32 $0x2800  }
0x35: {  	[tilespmem:s21], [sflag:$0x1] =	stream.indirect_vreg.gather [hbm4b:s3+s2], $0x80, v3, vm0, $0xb8;
	[tilespmem:$0x16C00] =	vst v63  }
0x36: {  	s22 =	simm.s32 $0x3000  }
0x37: {  	[tilespmem:s22], [sflag:$0x1] =	stream.indirect_vreg.gather [hbm4b:s5+s2], $0x80, v3, vm1, $0xb8;
	[tilespmem:$0x16C00] =	vst v63  }
0x38: {  	v3 =	vld [tilespmem:$0x20];
	_ =	sdelay $0x4  }
0x39: {  	v58 =	vshrl.u32 v3, $0x3  }
0x3a: {  	v4 =	vmul.u32 $0x18, v58  }
0x3b: {  	v3 =	vand.u32 $0x7, v3  }
0x3c: {  	v3 =	vor.u32 v3, v4  }
0x3d: {  	v4 =	vperm.xlane v3, v0;
	_ =	sdelay $0x1  }
0x3e: {  	v4 =	vadd.s32 v1, v4;
	_ =	sdelay $0x1  }
0x3f: {  	v3 =	vperm.xlane v3, v2;
	_ =	sdelay $0x1  }
0x40: {  	s23 =	simm.s32 $0x3400;
	v3 =	vadd.s32 v1, v3  }
0x41: {  	[tilespmem:s23], [sflag:$0x1] =	stream.indirect_vreg.gather [hbm4b:s3+s2], $0x80, v4, vm0, $0xb8;
	[tilespmem:$0x16C00] =	vst v63  }
0x42: {  	s24 =	simm.s32 $0x3C00  }
0x43: {  	[tilespmem:s24], [sflag:$0x1] =	stream.indirect_vreg.gather [hbm4b:s5+s2], $0x80, v4, vm1, $0xb8;
	[tilespmem:$0x16C00] =	vst v63  }
0x44: {  	s25 =	simm.s32 $0x4000  }
0x45: {  	[tilespmem:s25], [sflag:$0x1] =	stream.indirect_vreg.gather [hbm4b:s3+s2], $0x80, v3, vm0, $0xb8;
	[tilespmem:$0x16C00] =	vst v63  }
0x46: {  	s26 =	simm.s32 $0x4800  }
0x47: {  	[tilespmem:s26], [sflag:$0x1] =	stream.indirect_vreg.gather [hbm4b:s5+s2], $0x80, v3, vm1, $0xb8;
	[tilespmem:$0x16C00] =	vst v63  }
0x48: {  	v3 =	vld [tilespmem:$0x30];
	_ =	sdelay $0x4  }
0x49: {  	v59 =	vshrl.u32 v3, $0x3  }
0x4a: {  	v4 =	vmul.u32 $0x18, v59  }
0x4b: {  	v3 =	vand.u32 $0x7, v3  }
0x4c: {  	v3 =	vor.u32 v3, v4  }
0x4d: {  	v4 =	vperm.xlane v3, v0;
	_ =	sdelay $0x1  }
0x4e: {  	v4 =	vadd.s32 v1, v4;
	_ =	sdelay $0x1  }
0x4f: {  	v3 =	vperm.xlane v3, v2;
	_ =	sdelay $0x1  }
0x50: {  	s28 =	simm.s32 $0x4C00;
	v3 =	vadd.s32 v1, v3  }
0x51: {  	[tilespmem:s28], [sflag:$0x1] =	stream.indirect_vreg.gather [hbm4b:s3+s2], $0x80, v4, vm0, $0xb8;
	[tilespmem:$0x16C00] =	vst v63  }
0x52: {  	s29 =	simm.s32 $0x5400  }
0x53: {  	[tilespmem:s29], [sflag:$0x1] =	stream.indirect_vreg.gather [hbm4b:s5+s2], $0x80, v4, vm1, $0xb8;
	[tilespmem:$0x16C00] =	vst v63  }
0x54: {  	s31 =	simm.s32 $0x5800  }
0x55: {  	[tilespmem:s31], [sflag:$0x1] =	stream.indirect_vreg.gather [hbm4b:s3+s2], $0x80, v3, vm0, $0xb8;
	[tilespmem:$0x16C00] =	vst v63  }
0x56: {  	s1 =	simm.s32 $0x6000  }
0x57: {  	[tilespmem:s1], [sflag:$0x1] =	stream.indirect_vreg.gather [hbm4b:s5+s2], $0x80, v3, vm1, $0xb8;
	[tilespmem:$0x16C00] =	vst v63  }
0x58: {  	v3 =	vld [tilespmem:$0x40];
	_ =	sdelay $0x4  }
0x59: {  	v60 =	vshrl.u32 v3, $0x3  }
0x5a: {  	v4 =	vmul.u32 $0x18, v60  }
0x5b: {  	v3 =	vand.u32 $0x7, v3  }
0x5c: {  	v3 =	vor.u32 v3, v4  }
0x5d: {  	v4 =	vperm.xlane v3, v0;
	_ =	sdelay $0x1  }
0x5e: {  	v4 =	vadd.s32 v1, v4;
	_ =	sdelay $0x1  }
0x5f: {  	v3 =	vperm.xlane v3, v2;
	_ =	sdelay $0x1  }
0x60: {  	s9 =	simm.s32 $0x6400;
	v3 =	vadd.s32 v1, v3  }
0x61: {  	[tilespmem:s9], [sflag:$0x1] =	stream.indirect_vreg.gather [hbm4b:s3+s2], $0x80, v4, vm0, $0xb8;
	[tilespmem:$0x16C00] =	vst v63  }
0x62: {  	s10 =	simm.s32 $0x6C00  }
0x63: {  	[tilespmem:s10], [sflag:$0x1] =	stream.indirect_vreg.gather [hbm4b:s5+s2], $0x80, v4, vm1, $0xb8;
	[tilespmem:$0x16C00] =	vst v63  }
0x64: {  	s15 =	simm.s32 $0x7000  }
0x65: {  	[tilespmem:s15], [sflag:$0x1] =	stream.indirect_vreg.gather [hbm4b:s3+s2], $0x80, v3, vm0, $0xb8;
	[tilespmem:$0x16C00] =	vst v63  }
0x66: {  	s18 =	simm.s32 $0x7800  }
0x67: {  	[tilespmem:s18], [sflag:$0x1] =	stream.indirect_vreg.gather [hbm4b:s5+s2], $0x80, v3, vm1, $0xb8;
	[tilespmem:$0x16C00] =	vst v63  }
0x68: {  	v3 =	vld [tilespmem:$0x50];
	_ =	sdelay $0x4  }
0x69: {  	v61 =	vshrl.u32 v3, $0x3  }
0x6a: {  	v4 =	vmul.u32 $0x18, v61  }
0x6b: {  	v3 =	vand.u32 $0x7, v3  }
0x6c: {  	v3 =	vor.u32 v3, v4  }
0x6d: {  	v4 =	vperm.xlane v3, v0;
	_ =	sdelay $0x1  }
0x6e: {  	v4 =	vadd.s32 v1, v4;
	_ =	sdelay $0x1  }
0x6f: {  	v3 =	vperm.xlane v3, v2;
	_ =	sdelay $0x1  }
0x70: {  	s20 =	simm.s32 $0x7C00;
	v3 =	vadd.s32 v1, v3  }
0x71: {  	[tilespmem:s20], [sflag:$0x1] =	stream.indirect_vreg.gather [hbm4b:s3+s2], $0x80, v4, vm0, $0xb8;
	[tilespmem:$0x16C00] =	vst v63  }
0x72: {  	s23 =	simm.s32 $0x8400  }
0x73: {  	[tilespmem:s23], [sflag:$0x1] =	stream.indirect_vreg.gather [hbm4b:s5+s2], $0x80, v4, vm1, $0xb8;
	[tilespmem:$0x16C00] =	vst v63  }
0x74: {  	s26 =	simm.s32 $0x8800  }
0x75: {  	[tilespmem:s26], [sflag:$0x1] =	stream.indirect_vreg.gather [hbm4b:s3+s2], $0x80, v3, vm0, $0xb8;
	[tilespmem:$0x16C00] =	vst v63  }
0x76: {  	s1 =	simm.s32 $0x9000  }
0x77: {  	[tilespmem:s1], [sflag:$0x1] =	stream.indirect_vreg.gather [hbm4b:s5+s2], $0x80, v3, vm1, $0xb8;
	[tilespmem:$0x16C00] =	vst v63  }
0x78: {  	v3 =	vld [tilespmem:$0x60];
	_ =	sdelay $0x4  }
0x79: {  	v62 =	vshrl.u32 v3, $0x3  }
0x7a: {  	v4 =	vmul.u32 $0x18, v62  }
0x7b: {  	v3 =	vand.u32 $0x7, v3  }
0x7c: {  	v3 =	vor.u32 v3, v4  }
0x7d: {  	v4 =	vperm.xlane v3, v0;
	_ =	sdelay $0x1  }
0x7e: {  	v4 =	vadd.s32 v1, v4;
	_ =	sdelay $0x1  }
0x7f: {  	v3 =	vperm.xlane v3, v2;
	_ =	sdelay $0x1  }
0x80: {  	s9 =	simm.s32 $0x9400;
	v3 =	vadd.s32 v1, v3  }
0x81: {  	[tilespmem:s9], [sflag:$0x1] =	stream.indirect_vreg.gather [hbm4b:s3+s2], $0x80, v4, vm0, $0xb8;
	[tilespmem:$0x16C00] =	vst v63  }
0x82: {  	s10 =	simm.s32 $0x9C00  }
0x83: {  	[tilespmem:s10], [sflag:$0x1] =	stream.indirect_vreg.gather [hbm4b:s5+s2], $0x80, v4, vm1, $0xb8;
	[tilespmem:$0x16C00] =	vst v63  }
0x84: {  	s15 =	simm.s32 $0xA000  }
0x85: {  	[tilespmem:s15], [sflag:$0x1] =	stream.indirect_vreg.gather [hbm4b:s3+s2], $0x80, v3, vm0, $0xb8;
	[tilespmem:$0x16C00] =	vst v63  }
0x86: {  	s18 =	simm.s32 $0xA800  }
0x87: {  	[tilespmem:s18], [sflag:$0x1] =	stream.indirect_vreg.gather [hbm4b:s5+s2], $0x80, v3, vm1, $0xb8;
	[tilespmem:$0x16C00] =	vst v63  }
0x88: {  	v3 =	vld.msk [tilespmem:$0x70], $0xff;
	_ =	sdelay $0x4  }
0x89: {  	v63 =	vshrl.u32 v3, $0x3  }
0x8a: {  	v4 =	vmul.u32 $0x18, v63  }
0x8b: {  	v3 =	vand.u32 $0x7, v3  }
0x8c: {  	v3 =	vor.u32 v3, v4  }
0x8d: {  	v3 =	vperm.xlane v3, v0;
	_ =	sdelay $0x1  }
0x8e: {  	v3 =	vadd.s32 v1, v3;
	_ =	sdelay $0x3  }
0x8f: {  	s20 =	simm.s32 $0xAC00  }
0x90: {  	[tilespmem:s20], [sflag:$0x1] =	stream.indirect_vreg.gather [hbm4b:s3+s2], $0x80, v3, vm0, $0xb8;
	[tilespmem:$0x16C00] =	vst v63  }
0x91: {  	s23 =	simm.s32 $0xB400  }
0x92: {  	[tilespmem:s23], [sflag:$0x1] =	stream.indirect_vreg.gather [hbm4b:s5+s2], $0x80, v3, vm1, $0xb8;
	[tilespmem:$0x16C00] =	vst v63  }
0x93: {  	_ =	swait.ge [sflag:s12], $0xB400  }
0x94: {  	[sflag:s12] =	ssyncset.done $0x0  }
0x95: {  	[sflag:s12] =	ssyncadd.s32 $0xFFFF4C00  }
0x96: {  	v3 =	vld [tilespmem:$0x80];
	_ =	sdelay $0x4  }
0x97: {  	v8 =	vshrl.u32 v3, $0x3  }
0x98: {  	v4 =	vmul.u32 $0x18, v8  }
0x99: {  	v3 =	vand.u32 $0x7, v3  }
0x9a: {  	v3 =	vor.u32 v3, v4  }
0x9b: {  	v4 =	vperm.xlane v3, v0;
	_ =	sdelay $0x1  }
0x9c: {  	v4 =	vadd.s32 v1, v4;
	_ =	sdelay $0x1  }
0x9d: {  	v3 =	vperm.xlane v3, v2;
	_ =	sdelay $0x1  }
0x9e: {  	s26 =	simm.s32 $0xB800;
	v3 =	vadd.s32 v1, v3  }
0x9f: {  	[tilespmem:s26], [sflag:$0x1] =	stream.indirect_vreg.gather [hbm4b:s3+s2], $0x80, v4, vm0, $0xb8;
	[tilespmem:$0x16C00] =	vst v63  }
0xa0: {  	s9 =	simm.s32 $0xC000  }
0xa1: {  	[tilespmem:s9], [sflag:$0x1] =	stream.indirect_vreg.gather [hbm4b:s5+s2], $0x80, v4, vm1, $0xb8;
	[tilespmem:$0x16C00] =	vst v63  }
0xa2: {  	s18 =	simm.s32 $0xC400  }
0xa3: {  	[tilespmem:s18], [sflag:$0x1] =	stream.indirect_vreg.gather [hbm4b:s3+s2], $0x80, v3, vm0, $0xb8;
	[tilespmem:$0x16C00] =	vst v63  }
0xa4: {  	s20 =	simm.s32 $0xCC00  }
0xa5: {  	[tilespmem:s20], [sflag:$0x1] =	stream.indirect_vreg.gather [hbm4b:s5+s2], $0x80, v3, vm1, $0xb8;
	[tilespmem:$0x16C00] =	vst v63  }
0xa6: {  	v3 =	vld [tilespmem:$0x90];
	_ =	sdelay $0x4  }
0xa7: {  	v9 =	vshrl.u32 v3, $0x3  }
0xa8: {  	v4 =	vmul.u32 $0x18, v9  }
0xa9: {  	v3 =	vand.u32 $0x7, v3  }
0xaa: {  	v3 =	vor.u32 v3, v4  }
0xab: {  	v4 =	vperm.xlane v3, v0;
	_ =	sdelay $0x1  }
0xac: {  	v4 =	vadd.s32 v1, v4;
	_ =	sdelay $0x1  }
0xad: {  	v3 =	vperm.xlane v3, v2;
	_ =	sdelay $0x1  }
0xae: {  	s23 =	simm.s32 $0xD000;
	v3 =	vadd.s32 v1, v3  }
0xaf: {  	[tilespmem:s23], [sflag:$0x1] =	stream.indirect_vreg.gather [hbm4b:s3+s2], $0x80, v4, vm0, $0xb8;
	[tilespmem:$0x16C00] =	vst v63  }
0xb0: {  	s26 =	simm.s32 $0xD800  }
0xb1: {  	[tilespmem:s26], [sflag:$0x1] =	stream.indirect_vreg.gather [hbm4b:s5+s2], $0x80, v4, vm1, $0xb8;
	[tilespmem:$0x16C00] =	vst v63  }
0xb2: {  	s9 =	simm.s32 $0xDC00  }
0xb3: {  	[tilespmem:s9], [sflag:$0x1] =	stream.indirect_vreg.gather [hbm4b:s3+s2], $0x80, v3, vm0, $0xb8;
	[tilespmem:$0x16C00] =	vst v63  }
0xb4: {  	s18 =	simm.s32 $0xE400  }
0xb5: {  	[tilespmem:s18], [sflag:$0x1] =	stream.indirect_vreg.gather [hbm4b:s5+s2], $0x80, v3, vm1, $0xb8;
	[tilespmem:$0x16C00] =	vst v63  }
0xb6: {  	v3 =	vld [tilespmem:$0xA0];
	_ =	sdelay $0x4  }
0xb7: {  	v10 =	vshrl.u32 v3, $0x3  }
0xb8: {  	v4 =	vmul.u32 $0x18, v10  }
0xb9: {  	v3 =	vand.u32 $0x7, v3  }
0xba: {  	v3 =	vor.u32 v3, v4  }
0xbb: {  	v4 =	vperm.xlane v3, v0;
	_ =	sdelay $0x1  }
0xbc: {  	v4 =	vadd.s32 v1, v4;
	_ =	sdelay $0x1  }
0xbd: {  	v3 =	vperm.xlane v3, v2;
	_ =	sdelay $0x1  }
0xbe: {  	s20 =	simm.s32 $0xE800;
	v3 =	vadd.s32 v1, v3  }
0xbf: {  	[tilespmem:s20], [sflag:$0x1] =	stream.indirect_vreg.gather [hbm4b:s3+s2], $0x80, v4, vm0, $0xb8;
	[tilespmem:$0x16C00] =	vst v63  }
0xc0: {  	s23 =	simm.s32 $0xF000  }
0xc1: {  	[tilespmem:s23], [sflag:$0x1] =	stream.indirect_vreg.gather [hbm4b:s5+s2], $0x80, v4, vm1, $0xb8;
	[tilespmem:$0x16C00] =	vst v63  }
0xc2: {  	s26 =	simm.s32 $0xF400  }
0xc3: {  	[tilespmem:s26], [sflag:$0x1] =	stream.indirect_vreg.gather [hbm4b:s3+s2], $0x80, v3, vm0, $0xb8;
	[tilespmem:$0x16C00] =	vst v63  }
0xc4: {  	s9 =	simm.s32 $0xFC00  }
0xc5: {  	[tilespmem:s9], [sflag:$0x1] =	stream.indirect_vreg.gather [hbm4b:s5+s2], $0x80, v3, vm1, $0xb8;
	[tilespmem:$0x16C00] =	vst v63  }
0xc6: {  	v3 =	vld [tilespmem:$0xB0];
	_ =	sdelay $0x4  }
0xc7: {  	v11 =	vshrl.u32 v3, $0x3  }
0xc8: {  	v4 =	vmul.u32 $0x18, v11  }
0xc9: {  	v3 =	vand.u32 $0x7, v3  }
0xca: {  	v3 =	vor.u32 v3, v4  }
0xcb: {  	v4 =	vperm.xlane v3, v0;
	_ =	sdelay $0x1  }
0xcc: {  	v4 =	vadd.s32 v1, v4;
	_ =	sdelay $0x1  }
0xcd: {  	v3 =	vperm.xlane v3, v2;
	_ =	sdelay $0x1  }
0xce: {  	s18 =	simm.s32 $0x10000;
	v3 =	vadd.s32 v1, v3  }
0xcf: {  	[tilespmem:s18], [sflag:$0x1] =	stream.indirect_vreg.gather [hbm4b:s3+s2], $0x80, v4, vm0, $0xb8;
	[tilespmem:$0x16C00] =	vst v63  }
0xd0: {  	s20 =	simm.s32 $0x10800  }
0xd1: {  	[tilespmem:s20], [sflag:$0x1] =	stream.indirect_vreg.gather [hbm4b:s5+s2], $0x80, v4, vm1, $0xb8;
	[tilespmem:$0x16C00] =	vst v63  }
0xd2: {  	s23 =	simm.s32 $0x10C00  }
0xd3: {  	[tilespmem:s23], [sflag:$0x1] =	stream.indirect_vreg.gather [hbm4b:s3+s2], $0x80, v3, vm0, $0xb8;
	[tilespmem:$0x16C00] =	vst v63  }
0xd4: {  	s26 =	simm.s32 $0x11400  }
0xd5: {  	[tilespmem:s26], [sflag:$0x1] =	stream.indirect_vreg.gather [hbm4b:s5+s2], $0x80, v3, vm1, $0xb8;
	[tilespmem:$0x16C00] =	vst v63  }
0xd6: {  	v3 =	vld [tilespmem:$0xC0];
	_ =	sdelay $0x4  }
0xd7: {  	v12 =	vshrl.u32 v3, $0x3  }
0xd8: {  	v4 =	vmul.u32 $0x18, v12  }
0xd9: {  	v3 =	vand.u32 $0x7, v3  }
0xda: {  	v3 =	vor.u32 v3, v4  }
0xdb: {  	v4 =	vperm.xlane v3, v0;
	_ =	sdelay $0x1  }
0xdc: {  	v4 =	vadd.s32 v1, v4;
	_ =	sdelay $0x1  }
0xdd: {  	v3 =	vperm.xlane v3, v2;
	_ =	sdelay $0x1  }
0xde: {  	s9 =	simm.s32 $0x11800;
	v3 =	vadd.s32 v1, v3  }
0xdf: {  	[tilespmem:s9], [sflag:$0x1] =	stream.indirect_vreg.gather [hbm4b:s3+s2], $0x80, v4, vm0, $0xb8;
	[tilespmem:$0x16C00] =	vst v63  }
0xe0: {  	s20 =	simm.s32 $0x12000  }
0xe1: {  	[tilespmem:s20], [sflag:$0x1] =	stream.indirect_vreg.gather [hbm4b:s5+s2], $0x80, v4, vm1, $0xb8;
	[tilespmem:$0x16C00] =	vst v63  }
0xe2: {  	s23 =	simm.s32 $0x12400  }
0xe3: {  	[tilespmem:s23], [sflag:$0x1] =	stream.indirect_vreg.gather [hbm4b:s3+s2], $0x80, v3, vm0, $0xb8;
	[tilespmem:$0x16C00] =	vst v63  }
0xe4: {  	s26 =	simm.s32 $0x12C00  }
0xe5: {  	[tilespmem:s26], [sflag:$0x1] =	stream.indirect_vreg.gather [hbm4b:s5+s2], $0x80, v3, vm1, $0xb8;
	[tilespmem:$0x16C00] =	vst v63  }
0xe6: {  	v3 =	vld [tilespmem:$0xD0];
	_ =	sdelay $0x4  }
0xe7: {  	v13 =	vshrl.u32 v3, $0x3  }
0xe8: {  	v4 =	vmul.u32 $0x18, v13  }
0xe9: {  	v3 =	vand.u32 $0x7, v3  }
0xea: {  	v3 =	vor.u32 v3, v4  }
0xeb: {  	v4 =	vperm.xlane v3, v0;
	_ =	sdelay $0x1  }
0xec: {  	v4 =	vadd.s32 v1, v4;
	_ =	sdelay $0x1  }
0xed: {  	v3 =	vperm.xlane v3, v2;
	_ =	sdelay $0x1  }
0xee: {  	s9 =	simm.s32 $0x13000;
	v3 =	vadd.s32 v1, v3  }
0xef: {  	[tilespmem:s9], [sflag:$0x1] =	stream.indirect_vreg.gather [hbm4b:s3+s2], $0x80, v4, vm0, $0xb8;
	[tilespmem:$0x16C00] =	vst v63  }
0xf0: {  	s20 =	simm.s32 $0x13800  }
0xf1: {  	[tilespmem:s20], [sflag:$0x1] =	stream.indirect_vreg.gather [hbm4b:s5+s2], $0x80, v4, vm1, $0xb8;
	[tilespmem:$0x16C00] =	vst v63  }
0xf2: {  	s26 =	simm.s32 $0x13C00  }
0xf3: {  	[tilespmem:s26], [sflag:$0x1] =	stream.indirect_vreg.gather [hbm4b:s3+s2], $0x80, v3, vm0, $0xb8;
	[tilespmem:$0x16C00] =	vst v63  }
0xf4: {  	s9 =	simm.s32 $0x14400  }
0xf5: {  	[tilespmem:s9], [sflag:$0x1] =	stream.indirect_vreg.gather [hbm4b:s5+s2], $0x80, v3, vm1, $0xb8;
	[tilespmem:$0x16C00] =	vst v63  }
0xf6: {  	v3 =	vld [tilespmem:$0xE0];
	_ =	sdelay $0x4  }
0xf7: {  	v14 =	vshrl.u32 v3, $0x3  }
0xf8: {  	v4 =	vmul.u32 $0x18, v14  }
0xf9: {  	v3 =	vand.u32 $0x7, v3  }
0xfa: {  	v3 =	vor.u32 v3, v4  }
0xfb: {  	v4 =	vperm.xlane v3, v0;
	_ =	sdelay $0x1  }
0xfc: {  	v4 =	vadd.s32 v1, v4;
	_ =	sdelay $0x1  }
0xfd: {  	v3 =	vperm.xlane v3, v2;
	_ =	sdelay $0x1  }
0xfe: {  	s20 =	simm.s32 $0x14800;
	v3 =	vadd.s32 v1, v3  }
0xff: {  	[tilespmem:s20], [sflag:$0x1] =	stream.indirect_vreg.gather [hbm4b:s3+s2], $0x80, v4, vm0, $0xb8;
	[tilespmem:$0x16C00] =	vst v63  }
0x100: {  	s9 =	simm.s32 $0x15000  }
0x101: {  	[tilespmem:s9], [sflag:$0x1] =	stream.indirect_vreg.gather [hbm4b:s5+s2], $0x80, v4, vm1, $0xb8;
	[tilespmem:$0x16C00] =	vst v63  }
0x102: {  	s20 =	simm.s32 $0x15400  }
0x103: {  	[tilespmem:s20], [sflag:$0x1] =	stream.indirect_vreg.gather [hbm4b:s3+s2], $0x80, v3, vm0, $0xb8;
	[tilespmem:$0x16C00] =	vst v63  }
0x104: {  	s9 =	simm.s32 $0x15C00  }
0x105: {  	[tilespmem:s9], [sflag:$0x1] =	stream.indirect_vreg.gather [hbm4b:s5+s2], $0x80, v3, vm1, $0xb8;
	[tilespmem:$0x16C00] =	vst v63  }
0x106: {  	v3 =	vld.msk [tilespmem:$0xF0], $0xff;
	_ =	sdelay $0x4  }
0x107: {  	v15 =	vshrl.u32 v3, $0x3  }
0x108: {  	v4 =	vmul.u32 $0x18, v15  }
0x109: {  	v3 =	vand.u32 $0x7, v3  }
0x10a: {  	v3 =	vor.u32 v3, v4  }
0x10b: {  	v3 =	vperm.xlane v3, v0;
	_ =	sdelay $0x1  }
0x10c: {  	v3 =	vadd.s32 v1, v3;
	_ =	sdelay $0x3  }
0x10d: {  	s20 =	simm.s32 $0x16000  }
0x10e: {  	[tilespmem:s20], [sflag:$0x1] =	stream.indirect_vreg.gather [hbm4b:s3+s2], $0x80, v3, vm0, $0xb8;
	[tilespmem:$0x16C00] =	vst v63  }
0x10f: {  	s9 =	simm.s32 $0x16800  }
0x110: {  	[tilespmem:s9], [sflag:$0x1] =	stream.indirect_vreg.gather [hbm4b:s5+s2], $0x80, v3, vm1, $0xb8;
	[tilespmem:$0x16C00] =	vst v63  }
0x111: {  	s0 =	rddreg [dreg:$0xb];
	s9 =	simm.s32 $0x400  }
0x112: {  	[hbm4b:s0+s2] =	stream.linear.scatter [tilespmem:s9], [sflag:$0x2], $0xB400, $0x38;
	[tilespmem:$0x16C00] =	vst v63  }
0x113: {  	_ =	swait.ge [sflag:s12], $0xB400  }
0x114: {  	[sflag:s12] =	ssyncset.done $0x0  }
0x115: {  	[sflag:s12] =	ssyncadd.s32 $0xFFFF4C00  }
0x116: {  	_ =	swait.ge [sflag:s19], $0xB400  }
0x117: {  	[sflag:s19] =	ssyncset.done $0x0  }
0x118: {  	[sflag:s19] =	ssyncadd.s32 $0xFFFF4C00  }
0x119: {  	v3 =	vld [tilespmem:$0x100];
	_ =	sdelay $0x4  }
0x11a: {  	v16 =	vshrl.u32 v3, $0x3  }
0x11b: {  	v4 =	vmul.u32 $0x18, v16  }
0x11c: {  	v3 =	vand.u32 $0x7, v3  }
0x11d: {  	v3 =	vor.u32 v3, v4  }
0x11e: {  	v4 =	vperm.xlane v3, v0;
	_ =	sdelay $0x1  }
0x11f: {  	v4 =	vadd.s32 v1, v4;
	_ =	sdelay $0x1  }
0x120: {  	v3 =	vperm.xlane v3, v2;
	_ =	sdelay $0x1  }
0x121: {  	v3 =	vadd.s32 v1, v3  }
0x122: {  	[tilespmem:s9], [sflag:$0x1] =	stream.indirect_vreg.gather [hbm4b:s3+s2], $0x80, v4, vm0, $0xb8;
	[tilespmem:$0x16C00] =	vst v63  }
0x123: {  	s7 =	simm.s32 $0xC00  }
0x124: {  	[tilespmem:s7], [sflag:$0x1] =	stream.indirect_vreg.gather [hbm4b:s5+s2], $0x80, v4, vm1, $0xb8;
	[tilespmem:$0x16C00] =	vst v63  }
0x125: {  	s8 =	simm.s32 $0x1000  }
0x126: {  	[tilespmem:s8], [sflag:$0x1] =	stream.indirect_vreg.gather [hbm4b:s3+s2], $0x80, v3, vm0, $0xb8;
	[tilespmem:$0x16C00] =	vst v63  }
0x127: {  	s13 =	simm.s32 $0x1800  }
0x128: {  	[tilespmem:s13], [sflag:$0x1] =	stream.indirect_vreg.gather [hbm4b:s5+s2], $0x80, v3, vm1, $0xb8;
	[tilespmem:$0x16C00] =	vst v63  }
0x129: {  	v3 =	vld [tilespmem:$0x110];
	_ =	sdelay $0x4  }
0x12a: {  	v17 =	vshrl.u32 v3, $0x3  }
0x12b: {  	v4 =	vmul.u32 $0x18, v17  }
0x12c: {  	v3 =	vand.u32 $0x7, v3  }
0x12d: {  	v3 =	vor.u32 v3, v4  }
0x12e: {  	v4 =	vperm.xlane v3, v0;
	_ =	sdelay $0x1  }
0x12f: {  	v4 =	vadd.s32 v1, v4;
	_ =	sdelay $0x1  }
0x130: {  	v3 =	vperm.xlane v3, v2;
	_ =	sdelay $0x1  }
0x131: {  	s4 =	simm.s32 $0x1C00;
	v3 =	vadd.s32 v1, v3  }
0x132: {  	[tilespmem:s4], [sflag:$0x1] =	stream.indirect_vreg.gather [hbm4b:s3+s2], $0x80, v4, vm0, $0xb8;
	[tilespmem:$0x16C00] =	vst v63  }
0x133: {  	s11 =	simm.s32 $0x2400  }
0x134: {  	[tilespmem:s11], [sflag:$0x1] =	stream.indirect_vreg.gather [hbm4b:s5+s2], $0x80, v4, vm1, $0xb8;
	[tilespmem:$0x16C00] =	vst v63  }
0x135: {  	s14 =	simm.s32 $0x2800  }
0x136: {  	[tilespmem:s14], [sflag:$0x1] =	stream.indirect_vreg.gather [hbm4b:s3+s2], $0x80, v3, vm0, $0xb8;
	[tilespmem:$0x16C00] =	vst v63  }
0x137: {  	s30 =	simm.s32 $0x3000  }
0x138: {  	[tilespmem:s30], [sflag:$0x1] =	stream.indirect_vreg.gather [hbm4b:s5+s2], $0x80, v3, vm1, $0xb8;
	[tilespmem:$0x16C00] =	vst v63  }
0x139: {  	v3 =	vld [tilespmem:$0x120];
	_ =	sdelay $0x4  }
0x13a: {  	v18 =	vshrl.u32 v3, $0x3  }
0x13b: {  	v4 =	vmul.u32 $0x18, v18  }
0x13c: {  	v3 =	vand.u32 $0x7, v3  }
0x13d: {  	v3 =	vor.u32 v3, v4  }
0x13e: {  	v4 =	vperm.xlane v3, v0;
	_ =	sdelay $0x1  }
0x13f: {  	v4 =	vadd.s32 v1, v4;
	_ =	sdelay $0x1  }
0x140: {  	v3 =	vperm.xlane v3, v2;
	_ =	sdelay $0x1  }
0x141: {  	s16 =	simm.s32 $0x3400;
	v3 =	vadd.s32 v1, v3  }
0x142: {  	[tilespmem:s16], [sflag:$0x1] =	stream.indirect_vreg.gather [hbm4b:s3+s2], $0x80, v4, vm0, $0xb8;
	[tilespmem:$0x16C00] =	vst v63  }
0x143: {  	s17 =	simm.s32 $0x3C00  }
0x144: {  	[tilespmem:s17], [sflag:$0x1] =	stream.indirect_vreg.gather [hbm4b:s5+s2], $0x80, v4, vm1, $0xb8;
	[tilespmem:$0x16C00] =	vst v63  }
0x145: {  	s21 =	simm.s32 $0x4000  }
0x146: {  	[tilespmem:s21], [sflag:$0x1] =	stream.indirect_vreg.gather [hbm4b:s3+s2], $0x80, v3, vm0, $0xb8;
	[tilespmem:$0x16C00] =	vst v63  }
0x147: {  	s9 =	simm.s32 $0x4800  }
0x148: {  	[tilespmem:s9], [sflag:$0x1] =	stream.indirect_vreg.gather [hbm4b:s5+s2], $0x80, v3, vm1, $0xb8;
	[tilespmem:$0x16C00] =	vst v63  }
0x149: {  	v3 =	vld [tilespmem:$0x130];
	_ =	sdelay $0x4  }
0x14a: {  	v19 =	vshrl.u32 v3, $0x3  }
0x14b: {  	v4 =	vmul.u32 $0x18, v19  }
0x14c: {  	v3 =	vand.u32 $0x7, v3  }
0x14d: {  	v3 =	vor.u32 v3, v4  }
0x14e: {  	v4 =	vperm.xlane v3, v0;
	_ =	sdelay $0x1  }
0x14f: {  	v4 =	vadd.s32 v1, v4;
	_ =	sdelay $0x1  }
0x150: {  	v3 =	vperm.xlane v3, v2;
	_ =	sdelay $0x1  }
0x151: {  	s22 =	simm.s32 $0x4C00;
	v3 =	vadd.s32 v1, v3  }
0x152: {  	[tilespmem:s22], [sflag:$0x1] =	stream.indirect_vreg.gather [hbm4b:s3+s2], $0x80, v4, vm0, $0xb8;
	[tilespmem:$0x16C00] =	vst v63  }
0x153: {  	s24 =	simm.s32 $0x5400  }
0x154: {  	[tilespmem:s24], [sflag:$0x1] =	stream.indirect_vreg.gather [hbm4b:s5+s2], $0x80, v4, vm1, $0xb8;
	[tilespmem:$0x16C00] =	vst v63  }
0x155: {  	s25 =	simm.s32 $0x5800  }
0x156: {  	[tilespmem:s25], [sflag:$0x1] =	stream.indirect_vreg.gather [hbm4b:s3+s2], $0x80, v3, vm0, $0xb8;
	[tilespmem:$0x16C00] =	vst v63  }
0x157: {  	s4 =	simm.s32 $0x6000  }
0x158: {  	[tilespmem:s4], [sflag:$0x1] =	stream.indirect_vreg.gather [hbm4b:s5+s2], $0x80, v3, vm1, $0xb8;
	[tilespmem:$0x16C00] =	vst v63  }
0x159: {  	v3 =	vld [tilespmem:$0x140];
	_ =	sdelay $0x4  }
0x15a: {  	v20 =	vshrl.u32 v3, $0x3  }
0x15b: {  	v4 =	vmul.u32 $0x18, v20  }
0x15c: {  	v3 =	vand.u32 $0x7, v3  }
0x15d: {  	v3 =	vor.u32 v3, v4  }
0x15e: {  	v4 =	vperm.xlane v3, v0;
	_ =	sdelay $0x1  }
0x15f: {  	v4 =	vadd.s32 v1, v4;
	_ =	sdelay $0x1  }
0x160: {  	v3 =	vperm.xlane v3, v2;
	_ =	sdelay $0x1  }
0x161: {  	s28 =	simm.s32 $0x6400;
	v3 =	vadd.s32 v1, v3  }
0x162: {  	[tilespmem:s28], [sflag:$0x1] =	stream.indirect_vreg.gather [hbm4b:s3+s2], $0x80, v4, vm0, $0xb8;
	[tilespmem:$0x16C00] =	vst v63  }
0x163: {  	s29 =	simm.s32 $0x6C00  }
0x164: {  	[tilespmem:s29], [sflag:$0x1] =	stream.indirect_vreg.gather [hbm4b:s5+s2], $0x80, v4, vm1, $0xb8;
	[tilespmem:$0x16C00] =	vst v63  }
0x165: {  	s31 =	simm.s32 $0x7000  }
0x166: {  	[tilespmem:s31], [sflag:$0x1] =	stream.indirect_vreg.gather [hbm4b:s3+s2], $0x80, v3, vm0, $0xb8;
	[tilespmem:$0x16C00] =	vst v63  }
0x167: {  	s8 =	simm.s32 $0x7800  }
0x168: {  	[tilespmem:s8], [sflag:$0x1] =	stream.indirect_vreg.gather [hbm4b:s5+s2], $0x80, v3, vm1, $0xb8;
	[tilespmem:$0x16C00] =	vst v63  }
0x169: {  	v3 =	vld [tilespmem:$0x150];
	_ =	sdelay $0x4  }
0x16a: {  	v21 =	vshrl.u32 v3, $0x3  }
0x16b: {  	v4 =	vmul.u32 $0x18, v21  }
0x16c: {  	v3 =	vand.u32 $0x7, v3  }
0x16d: {  	v3 =	vor.u32 v3, v4  }
0x16e: {  	v4 =	vperm.xlane v3, v0;
	_ =	sdelay $0x1  }
0x16f: {  	v4 =	vadd.s32 v1, v4;
	_ =	sdelay $0x1  }
0x170: {  	v3 =	vperm.xlane v3, v2;
	_ =	sdelay $0x1  }
0x171: {  	s21 =	simm.s32 $0x7C00;
	v3 =	vadd.s32 v1, v3  }
0x172: {  	[tilespmem:s21], [sflag:$0x1] =	stream.indirect_vreg.gather [hbm4b:s3+s2], $0x80, v4, vm0, $0xb8;
	[tilespmem:$0x16C00] =	vst v63  }
0x173: {  	s30 =	simm.s32 $0x8400  }
0x174: {  	[tilespmem:s30], [sflag:$0x1] =	stream.indirect_vreg.gather [hbm4b:s5+s2], $0x80, v4, vm1, $0xb8;
	[tilespmem:$0x16C00] =	vst v63  }
0x175: {  	s13 =	simm.s32 $0x8800  }
0x176: {  	[tilespmem:s13], [sflag:$0x1] =	stream.indirect_vreg.gather [hbm4b:s3+s2], $0x80, v3, vm0, $0xb8;
	[tilespmem:$0x16C00] =	vst v63  }
0x177: {  	s1 =	simm.s32 $0x9000  }
0x178: {  	[tilespmem:s1], [sflag:$0x1] =	stream.indirect_vreg.gather [hbm4b:s5+s2], $0x80, v3, vm1, $0xb8;
	[tilespmem:$0x16C00] =	vst v63  }
0x179: {  	v3 =	vld [tilespmem:$0x160];
	_ =	sdelay $0x4  }
0x17a: {  	v22 =	vshrl.u32 v3, $0x3  }
0x17b: {  	v4 =	vmul.u32 $0x18, v22  }
0x17c: {  	v3 =	vand.u32 $0x7, v3  }
0x17d: {  	v3 =	vor.u32 v3, v4  }
0x17e: {  	v4 =	vperm.xlane v3, v0;
	_ =	sdelay $0x1  }
0x17f: {  	v4 =	vadd.s32 v1, v4;
	_ =	sdelay $0x1  }
0x180: {  	v3 =	vperm.xlane v3, v2;
	_ =	sdelay $0x1  }
0x181: {  	s22 =	simm.s32 $0x9400;
	v3 =	vadd.s32 v1, v3  }
0x182: {  	[tilespmem:s22], [sflag:$0x1] =	stream.indirect_vreg.gather [hbm4b:s3+s2], $0x80, v4, vm0, $0xb8;
	[tilespmem:$0x16C00] =	vst v63  }
0x183: {  	s24 =	simm.s32 $0x9C00  }
0x184: {  	[tilespmem:s24], [sflag:$0x1] =	stream.indirect_vreg.gather [hbm4b:s5+s2], $0x80, v4, vm1, $0xb8;
	[tilespmem:$0x16C00] =	vst v63  }
0x185: {  	s25 =	simm.s32 $0xA000  }
0x186: {  	[tilespmem:s25], [sflag:$0x1] =	stream.indirect_vreg.gather [hbm4b:s3+s2], $0x80, v3, vm0, $0xb8;
	[tilespmem:$0x16C00] =	vst v63  }
0x187: {  	s10 =	simm.s32 $0xA800  }
0x188: {  	[tilespmem:s10], [sflag:$0x1] =	stream.indirect_vreg.gather [hbm4b:s5+s2], $0x80, v3, vm1, $0xb8;
	[tilespmem:$0x16C00] =	vst v63  }
0x189: {  	v3 =	vld.msk [tilespmem:$0x170], $0xff;
	_ =	sdelay $0x4  }
0x18a: {  	v23 =	vshrl.u32 v3, $0x3  }
0x18b: {  	v4 =	vmul.u32 $0x18, v23  }
0x18c: {  	v3 =	vand.u32 $0x7, v3  }
0x18d: {  	v3 =	vor.u32 v3, v4  }
0x18e: {  	v3 =	vperm.xlane v3, v0;
	_ =	sdelay $0x1  }
0x18f: {  	v3 =	vadd.s32 v1, v3;
	_ =	sdelay $0x3  }
0x190: {  	s28 =	simm.s32 $0xAC00  }
0x191: {  	[tilespmem:s28], [sflag:$0x1] =	stream.indirect_vreg.gather [hbm4b:s3+s2], $0x80, v3, vm0, $0xb8;
	[tilespmem:$0x16C00] =	vst v63  }
0x192: {  	s15 =	simm.s32 $0xB400  }
0x193: {  	[tilespmem:s15], [sflag:$0x1] =	stream.indirect_vreg.gather [hbm4b:s5+s2], $0x80, v3, vm1, $0xb8;
	[tilespmem:$0x16C00] =	vst v63  }
0x194: {  	s29 =	rddreg [dreg:$0x4];
	s31 =	simm.s32 $0xB800  }
0x195: {  	[hbm4b:s29+s2] =	stream.linear.scatter [tilespmem:s31], [sflag:$0x2], $0xB400, $0x38;
	[tilespmem:$0x16C00] =	vst v63  }
0x196: {  	_ =	swait.ge [sflag:s12], $0xB400  }
0x197: {  	[sflag:s12] =	ssyncset.done $0x0  }
0x198: {  	[sflag:s12] =	ssyncadd.s32 $0xFFFF4C00  }
0x199: {  	_ =	swait.ge [sflag:s19], $0xB400  }
0x19a: {  	[sflag:s19] =	ssyncset.done $0x0  }
0x19b: {  	[sflag:s19] =	ssyncadd.s32 $0xFFFF4C00  }
0x19c: {  	v3 =	vld [tilespmem:$0x180];
	_ =	sdelay $0x4  }
0x19d: {  	v24 =	vshrl.u32 v3, $0x3  }
0x19e: {  	v4 =	vmul.u32 $0x18, v24  }
0x19f: {  	v3 =	vand.u32 $0x7, v3  }
0x1a0: {  	v3 =	vor.u32 v3, v4  }
0x1a1: {  	v4 =	vperm.xlane v3, v0;
	_ =	sdelay $0x1  }
0x1a2: {  	v4 =	vadd.s32 v1, v4;
	_ =	sdelay $0x1  }
0x1a3: {  	v3 =	vperm.xlane v3, v2;
	_ =	sdelay $0x1  }
0x1a4: {  	v3 =	vadd.s32 v1, v3  }
0x1a5: {  	[tilespmem:s31], [sflag:$0x1] =	stream.indirect_vreg.gather [hbm4b:s3+s2], $0x80, v4, vm0, $0xb8;
	[tilespmem:$0x16C00] =	vst v63  }
0x1a6: {  	s7 =	simm.s32 $0xC000  }
0x1a7: {  	[tilespmem:s7], [sflag:$0x1] =	stream.indirect_vreg.gather [hbm4b:s5+s2], $0x80, v4, vm1, $0xb8;
	[tilespmem:$0x16C00] =	vst v63  }
0x1a8: {  	s10 =	simm.s32 $0xC400  }
0x1a9: {  	[tilespmem:s10], [sflag:$0x1] =	stream.indirect_vreg.gather [hbm4b:s3+s2], $0x80, v3, vm0, $0xb8;
	[tilespmem:$0x16C00] =	vst v63  }
0x1aa: {  	s11 =	simm.s32 $0xCC00  }
0x1ab: {  	[tilespmem:s11], [sflag:$0x1] =	stream.indirect_vreg.gather [hbm4b:s5+s2], $0x80, v3, vm1, $0xb8;
	[tilespmem:$0x16C00] =	vst v63  }
0x1ac: {  	v3 =	vld [tilespmem:$0x190];
	_ =	sdelay $0x4  }
0x1ad: {  	v25 =	vshrl.u32 v3, $0x3  }
0x1ae: {  	v4 =	vmul.u32 $0x18, v25  }
0x1af: {  	v3 =	vand.u32 $0x7, v3  }
0x1b0: {  	v3 =	vor.u32 v3, v4  }
0x1b1: {  	v4 =	vperm.xlane v3, v0;
	_ =	sdelay $0x1  }
0x1b2: {  	v4 =	vadd.s32 v1, v4;
	_ =	sdelay $0x1  }
0x1b3: {  	v3 =	vperm.xlane v3, v2;
	_ =	sdelay $0x1  }
0x1b4: {  	s14 =	simm.s32 $0xD000;
	v3 =	vadd.s32 v1, v3  }
0x1b5: {  	[tilespmem:s14], [sflag:$0x1] =	stream.indirect_vreg.gather [hbm4b:s3+s2], $0x80, v4, vm0, $0xb8;
	[tilespmem:$0x16C00] =	vst v63  }
0x1b6: {  	s7 =	simm.s32 $0xD800  }
0x1b7: {  	[tilespmem:s7], [sflag:$0x1] =	stream.indirect_vreg.gather [hbm4b:s5+s2], $0x80, v4, vm1, $0xb8;
	[tilespmem:$0x16C00] =	vst v63  }
0x1b8: {  	s15 =	simm.s32 $0xDC00  }
0x1b9: {  	[tilespmem:s15], [sflag:$0x1] =	stream.indirect_vreg.gather [hbm4b:s3+s2], $0x80, v3, vm0, $0xb8;
	[tilespmem:$0x16C00] =	vst v63  }
0x1ba: {  	s16 =	simm.s32 $0xE400  }
0x1bb: {  	[tilespmem:s16], [sflag:$0x1] =	stream.indirect_vreg.gather [hbm4b:s5+s2], $0x80, v3, vm1, $0xb8;
	[tilespmem:$0x16C00] =	vst v63  }
0x1bc: {  	v3 =	vld [tilespmem:$0x1A0];
	_ =	sdelay $0x4  }
0x1bd: {  	v26 =	vshrl.u32 v3, $0x3  }
0x1be: {  	v4 =	vmul.u32 $0x18, v26  }
0x1bf: {  	v3 =	vand.u32 $0x7, v3  }
0x1c0: {  	v3 =	vor.u32 v3, v4  }
0x1c1: {  	v4 =	vperm.xlane v3, v0;
	_ =	sdelay $0x1  }
0x1c2: {  	v4 =	vadd.s32 v1, v4;
	_ =	sdelay $0x1  }
0x1c3: {  	v3 =	vperm.xlane v3, v2;
	_ =	sdelay $0x1  }
0x1c4: {  	s10 =	simm.s32 $0xE800;
	v3 =	vadd.s32 v1, v3  }
0x1c5: {  	[tilespmem:s10], [sflag:$0x1] =	stream.indirect_vreg.gather [hbm4b:s3+s2], $0x80, v4, vm0, $0xb8;
	[tilespmem:$0x16C00] =	vst v63  }
0x1c6: {  	s11 =	simm.s32 $0xF000  }
0x1c7: {  	[tilespmem:s11], [sflag:$0x1] =	stream.indirect_vreg.gather [hbm4b:s5+s2], $0x80, v4, vm1, $0xb8;
	[tilespmem:$0x16C00] =	vst v63  }
0x1c8: {  	s14 =	simm.s32 $0xF400  }
0x1c9: {  	[tilespmem:s14], [sflag:$0x1] =	stream.indirect_vreg.gather [hbm4b:s3+s2], $0x80, v3, vm0, $0xb8;
	[tilespmem:$0x16C00] =	vst v63  }
0x1ca: {  	s17 =	simm.s32 $0xFC00  }
0x1cb: {  	[tilespmem:s17], [sflag:$0x1] =	stream.indirect_vreg.gather [hbm4b:s5+s2], $0x80, v3, vm1, $0xb8;
	[tilespmem:$0x16C00] =	vst v63  }
0x1cc: {  	v3 =	vld [tilespmem:$0x1B0];
	_ =	sdelay $0x4  }
0x1cd: {  	v27 =	vshrl.u32 v3, $0x3  }
0x1ce: {  	v4 =	vmul.u32 $0x18, v27  }
0x1cf: {  	v3 =	vand.u32 $0x7, v3  }
0x1d0: {  	v3 =	vor.u32 v3, v4  }
0x1d1: {  	v4 =	vperm.xlane v3, v0;
	_ =	sdelay $0x1  }
0x1d2: {  	v4 =	vadd.s32 v1, v4;
	_ =	sdelay $0x1  }
0x1d3: {  	v3 =	vperm.xlane v3, v2;
	_ =	sdelay $0x1  }
0x1d4: {  	s15 =	simm.s32 $0x10000;
	v3 =	vadd.s32 v1, v3  }
0x1d5: {  	[tilespmem:s15], [sflag:$0x1] =	stream.indirect_vreg.gather [hbm4b:s3+s2], $0x80, v4, vm0, $0xb8;
	[tilespmem:$0x16C00] =	vst v63  }
0x1d6: {  	s16 =	simm.s32 $0x10800  }
0x1d7: {  	[tilespmem:s16], [sflag:$0x1] =	stream.indirect_vreg.gather [hbm4b:s5+s2], $0x80, v4, vm1, $0xb8;
	[tilespmem:$0x16C00] =	vst v63  }
0x1d8: {  	s17 =	simm.s32 $0x10C00  }
0x1d9: {  	[tilespmem:s17], [sflag:$0x1] =	stream.indirect_vreg.gather [hbm4b:s3+s2], $0x80, v3, vm0, $0xb8;
	[tilespmem:$0x16C00] =	vst v63  }
0x1da: {  	s18 =	simm.s32 $0x11400  }
0x1db: {  	[tilespmem:s18], [sflag:$0x1] =	stream.indirect_vreg.gather [hbm4b:s5+s2], $0x80, v3, vm1, $0xb8;
	[tilespmem:$0x16C00] =	vst v63  }
0x1dc: {  	v3 =	vld [tilespmem:$0x1C0];
	_ =	sdelay $0x4  }
0x1dd: {  	v28 =	vshrl.u32 v3, $0x3  }
0x1de: {  	v4 =	vmul.u32 $0x18, v28  }
0x1df: {  	v3 =	vand.u32 $0x7, v3  }
0x1e0: {  	v3 =	vor.u32 v3, v4  }
0x1e1: {  	v4 =	vperm.xlane v3, v0;
	_ =	sdelay $0x1  }
0x1e2: {  	v4 =	vadd.s32 v1, v4;
	_ =	sdelay $0x1  }
0x1e3: {  	v3 =	vperm.xlane v3, v2;
	_ =	sdelay $0x1  }
0x1e4: {  	s18 =	simm.s32 $0x11800;
	v3 =	vadd.s32 v1, v3  }
0x1e5: {  	[tilespmem:s18], [sflag:$0x1] =	stream.indirect_vreg.gather [hbm4b:s3+s2], $0x80, v4, vm0, $0xb8;
	[tilespmem:$0x16C00] =	vst v63  }
0x1e6: {  	s21 =	simm.s32 $0x12000  }
0x1e7: {  	[tilespmem:s21], [sflag:$0x1] =	stream.indirect_vreg.gather [hbm4b:s5+s2], $0x80, v4, vm1, $0xb8;
	[tilespmem:$0x16C00] =	vst v63  }
0x1e8: {  	s22 =	simm.s32 $0x12400  }
0x1e9: {  	[tilespmem:s22], [sflag:$0x1] =	stream.indirect_vreg.gather [hbm4b:s3+s2], $0x80, v3, vm0, $0xb8;
	[tilespmem:$0x16C00] =	vst v63  }
0x1ea: {  	s23 =	simm.s32 $0x12C00  }
0x1eb: {  	[tilespmem:s23], [sflag:$0x1] =	stream.indirect_vreg.gather [hbm4b:s5+s2], $0x80, v3, vm1, $0xb8;
	[tilespmem:$0x16C00] =	vst v63  }
0x1ec: {  	v3 =	vld [tilespmem:$0x1D0];
	_ =	sdelay $0x4  }
0x1ed: {  	v29 =	vshrl.u32 v3, $0x3  }
0x1ee: {  	v4 =	vmul.u32 $0x18, v29  }
0x1ef: {  	v3 =	vand.u32 $0x7, v3  }
0x1f0: {  	v3 =	vor.u32 v3, v4  }
0x1f1: {  	v4 =	vperm.xlane v3, v0;
	_ =	sdelay $0x1  }
0x1f2: {  	v4 =	vadd.s32 v1, v4;
	_ =	sdelay $0x1  }
0x1f3: {  	v3 =	vperm.xlane v3, v2;
	_ =	sdelay $0x1  }
0x1f4: {  	s23 =	simm.s32 $0x13000;
	v3 =	vadd.s32 v1, v3  }
0x1f5: {  	[tilespmem:s23], [sflag:$0x1] =	stream.indirect_vreg.gather [hbm4b:s3+s2], $0x80, v4, vm0, $0xb8;
	[tilespmem:$0x16C00] =	vst v63  }
0x1f6: {  	s24 =	simm.s32 $0x13800  }
0x1f7: {  	[tilespmem:s24], [sflag:$0x1] =	stream.indirect_vreg.gather [hbm4b:s5+s2], $0x80, v4, vm1, $0xb8;
	[tilespmem:$0x16C00] =	vst v63  }
0x1f8: {  	s25 =	simm.s32 $0x13C00  }
0x1f9: {  	[tilespmem:s25], [sflag:$0x1] =	stream.indirect_vreg.gather [hbm4b:s3+s2], $0x80, v3, vm0, $0xb8;
	[tilespmem:$0x16C00] =	vst v63  }
0x1fa: {  	s26 =	simm.s32 $0x14400  }
0x1fb: {  	[tilespmem:s26], [sflag:$0x1] =	stream.indirect_vreg.gather [hbm4b:s5+s2], $0x80, v3, vm1, $0xb8;
	[tilespmem:$0x16C00] =	vst v63  }
0x1fc: {  	v3 =	vld [tilespmem:$0x1E0];
	_ =	sdelay $0x4  }
0x1fd: {  	v30 =	vshrl.u32 v3, $0x3  }
0x1fe: {  	v4 =	vmul.u32 $0x18, v30  }
0x1ff: {  	v3 =	vand.u32 $0x7, v3  }
0x200: {  	v3 =	vor.u32 v3, v4  }
0x201: {  	v4 =	vperm.xlane v3, v0;
	_ =	sdelay $0x1  }
0x202: {  	v4 =	vadd.s32 v1, v4;
	_ =	sdelay $0x1  }
0x203: {  	v3 =	vperm.xlane v3, v2;
	_ =	sdelay $0x1  }
0x204: {  	s26 =	simm.s32 $0x14800;
	v3 =	vadd.s32 v1, v3  }
0x205: {  	[tilespmem:s26], [sflag:$0x1] =	stream.indirect_vreg.gather [hbm4b:s3+s2], $0x80, v4, vm0, $0xb8;
	[tilespmem:$0x16C00] =	vst v63  }
0x206: {  	s28 =	simm.s32 $0x15000  }
0x207: {  	[tilespmem:s28], [sflag:$0x1] =	stream.indirect_vreg.gather [hbm4b:s5+s2], $0x80, v4, vm1, $0xb8;
	[tilespmem:$0x16C00] =	vst v63  }
0x208: {  	s29 =	simm.s32 $0x15400  }
0x209: {  	[tilespmem:s29], [sflag:$0x1] =	stream.indirect_vreg.gather [hbm4b:s3+s2], $0x80, v3, vm0, $0xb8;
	[tilespmem:$0x16C00] =	vst v63  }
0x20a: {  	s31 =	simm.s32 $0x15C00  }
0x20b: {  	[tilespmem:s31], [sflag:$0x1] =	stream.indirect_vreg.gather [hbm4b:s5+s2], $0x80, v3, vm1, $0xb8;
	[tilespmem:$0x16C00] =	vst v63  }
0x20c: {  	v3 =	vld.msk [tilespmem:$0x1F0], $0xff;
	_ =	sdelay $0x4  }
0x20d: {  	v31 =	vshrl.u32 v3, $0x3  }
0x20e: {  	v4 =	vmul.u32 $0x18, v31  }
0x20f: {  	v3 =	vand.u32 $0x7, v3  }
0x210: {  	v3 =	vor.u32 v3, v4  }
0x211: {  	v3 =	vperm.xlane v3, v0;
	_ =	sdelay $0x1  }
0x212: {  	v3 =	vadd.s32 v1, v3;
	_ =	sdelay $0x3  }
0x213: {  	s20 =	simm.s32 $0x16000  }
0x214: {  	[tilespmem:s20], [sflag:$0x1] =	stream.indirect_vreg.gather [hbm4b:s3+s2], $0x80, v3, vm0, $0xb8;
	[tilespmem:$0x16C00] =	vst v63  }
0x215: {  	s1 =	simm.s32 $0x16800  }
0x216: {  	[tilespmem:s1], [sflag:$0x1] =	stream.indirect_vreg.gather [hbm4b:s5+s2], $0x80, v3, vm1, $0xb8;
	[tilespmem:$0x16C00] =	vst v63  }
0x217: {  	s0 =	simm.s32 $0x400;
	s20 =	rddreg [dreg:$0x5]  }
0x218: {  	[hbm4b:s20+s2] =	stream.linear.scatter [tilespmem:s0], [sflag:$0x2], $0xB400, $0x38;
	[tilespmem:$0x16C00] =	vst v63  }
0x219: {  	_ =	swait.ge [sflag:s12], $0xB400  }
0x21a: {  	[sflag:s12] =	ssyncset.done $0x0  }
0x21b: {  	[sflag:s12] =	ssyncadd.s32 $0xFFFF4C00  }
0x21c: {  	_ =	swait.ge [sflag:s19], $0xB400  }
0x21d: {  	[sflag:s19] =	ssyncset.done $0x0  }
0x21e: {  	[sflag:s19] =	ssyncadd.s32 $0xFFFF4C00  }
0x21f: {  	v3 =	vld [tilespmem:$0x200];
	_ =	sdelay $0x4  }
0x220: {  	v32 =	vshrl.u32 v3, $0x3  }
0x221: {  	v4 =	vmul.u32 $0x18, v32  }
0x222: {  	v3 =	vand.u32 $0x7, v3  }
0x223: {  	v3 =	vor.u32 v3, v4  }
0x224: {  	v4 =	vperm.xlane v3, v0;
	_ =	sdelay $0x1  }
0x225: {  	v4 =	vadd.s32 v1, v4;
	_ =	sdelay $0x1  }
0x226: {  	v3 =	vperm.xlane v3, v2;
	_ =	sdelay $0x1  }
0x227: {  	v3 =	vadd.s32 v1, v3  }
0x228: {  	[tilespmem:s0], [sflag:$0x1] =	stream.indirect_vreg.gather [hbm4b:s3+s2], $0x80, v4, vm0, $0xb8;
	[tilespmem:$0x16C00] =	vst v63  }
0x229: {  	s1 =	simm.s32 $0xC00  }
0x22a: {  	[tilespmem:s1], [sflag:$0x1] =	stream.indirect_vreg.gather [hbm4b:s5+s2], $0x80, v4, vm1, $0xb8;
	[tilespmem:$0x16C00] =	vst v63  }
0x22b: {  	s20 =	simm.s32 $0x1000  }
0x22c: {  	[tilespmem:s20], [sflag:$0x1] =	stream.indirect_vreg.gather [hbm4b:s3+s2], $0x80, v3, vm0, $0xb8;
	[tilespmem:$0x16C00] =	vst v63  }
0x22d: {  	s1 =	simm.s32 $0x1800  }
0x22e: {  	[tilespmem:s1], [sflag:$0x1] =	stream.indirect_vreg.gather [hbm4b:s5+s2], $0x80, v3, vm1, $0xb8;
	[tilespmem:$0x16C00] =	vst v63  }
0x22f: {  	v3 =	vld [tilespmem:$0x210];
	_ =	sdelay $0x4  }
0x230: {  	v33 =	vshrl.u32 v3, $0x3  }
0x231: {  	v4 =	vmul.u32 $0x18, v33  }
0x232: {  	v3 =	vand.u32 $0x7, v3  }
0x233: {  	v3 =	vor.u32 v3, v4  }
0x234: {  	v4 =	vperm.xlane v3, v0;
	_ =	sdelay $0x1  }
0x235: {  	v4 =	vadd.s32 v1, v4;
	_ =	sdelay $0x1  }
0x236: {  	v3 =	vperm.xlane v3, v2;
	_ =	sdelay $0x1  }
0x237: {  	s20 =	simm.s32 $0x1C00;
	v3 =	vadd.s32 v1, v3  }
0x238: {  	[tilespmem:s20], [sflag:$0x1] =	stream.indirect_vreg.gather [hbm4b:s3+s2], $0x80, v4, vm0, $0xb8;
	[tilespmem:$0x16C00] =	vst v63  }
0x239: {  	s1 =	simm.s32 $0x2400  }
0x23a: {  	[tilespmem:s1], [sflag:$0x1] =	stream.indirect_vreg.gather [hbm4b:s5+s2], $0x80, v4, vm1, $0xb8;
	[tilespmem:$0x16C00] =	vst v63  }
0x23b: {  	s20 =	simm.s32 $0x2800  }
0x23c: {  	[tilespmem:s20], [sflag:$0x1] =	stream.indirect_vreg.gather [hbm4b:s3+s2], $0x80, v3, vm0, $0xb8;
	[tilespmem:$0x16C00] =	vst v63  }
0x23d: {  	s1 =	simm.s32 $0x3000  }
0x23e: {  	[tilespmem:s1], [sflag:$0x1] =	stream.indirect_vreg.gather [hbm4b:s5+s2], $0x80, v3, vm1, $0xb8;
	[tilespmem:$0x16C00] =	vst v63  }
0x23f: {  	v3 =	vld [tilespmem:$0x220];
	_ =	sdelay $0x4  }
0x240: {  	v34 =	vshrl.u32 v3, $0x3  }
0x241: {  	v4 =	vmul.u32 $0x18, v34  }
0x242: {  	v3 =	vand.u32 $0x7, v3  }
0x243: {  	v3 =	vor.u32 v3, v4  }
0x244: {  	v4 =	vperm.xlane v3, v0;
	_ =	sdelay $0x1  }
0x245: {  	v4 =	vadd.s32 v1, v4;
	_ =	sdelay $0x1  }
0x246: {  	v3 =	vperm.xlane v3, v2;
	_ =	sdelay $0x1  }
0x247: {  	s20 =	simm.s32 $0x3400;
	v3 =	vadd.s32 v1, v3  }
0x248: {  	[tilespmem:s20], [sflag:$0x1] =	stream.indirect_vreg.gather [hbm4b:s3+s2], $0x80, v4, vm0, $0xb8;
	[tilespmem:$0x16C00] =	vst v63  }
0x249: {  	s1 =	simm.s32 $0x3C00  }
0x24a: {  	[tilespmem:s1], [sflag:$0x1] =	stream.indirect_vreg.gather [hbm4b:s5+s2], $0x80, v4, vm1, $0xb8;
	[tilespmem:$0x16C00] =	vst v63  }
0x24b: {  	s20 =	simm.s32 $0x4000  }
0x24c: {  	[tilespmem:s20], [sflag:$0x1] =	stream.indirect_vreg.gather [hbm4b:s3+s2], $0x80, v3, vm0, $0xb8;
	[tilespmem:$0x16C00] =	vst v63  }
0x24d: {  	_ = 	snop  }
0x24e: {  	[tilespmem:s9], [sflag:$0x1] =	stream.indirect_vreg.gather [hbm4b:s5+s2], $0x80, v3, vm1, $0xb8;
	[tilespmem:$0x16C00] =	vst v63  }
0x24f: {  	v3 =	vld [tilespmem:$0x230];
	_ =	sdelay $0x4  }
0x250: {  	v35 =	vshrl.u32 v3, $0x3  }
0x251: {  	v4 =	vmul.u32 $0x18, v35  }
0x252: {  	v3 =	vand.u32 $0x7, v3  }
0x253: {  	v3 =	vor.u32 v3, v4  }
0x254: {  	v4 =	vperm.xlane v3, v0;
	_ =	sdelay $0x1  }
0x255: {  	v4 =	vadd.s32 v1, v4;
	_ =	sdelay $0x1  }
0x256: {  	v3 =	vperm.xlane v3, v2;
	_ =	sdelay $0x1  }
0x257: {  	s1 =	simm.s32 $0x4C00;
	v3 =	vadd.s32 v1, v3  }
0x258: {  	[tilespmem:s1], [sflag:$0x1] =	stream.indirect_vreg.gather [hbm4b:s3+s2], $0x80, v4, vm0, $0xb8;
	[tilespmem:$0x16C00] =	vst v63  }
0x259: {  	s9 =	simm.s32 $0x5400  }
0x25a: {  	[tilespmem:s9], [sflag:$0x1] =	stream.indirect_vreg.gather [hbm4b:s5+s2], $0x80, v4, vm1, $0xb8;
	[tilespmem:$0x16C00] =	vst v63  }
0x25b: {  	s20 =	simm.s32 $0x5800  }
0x25c: {  	[tilespmem:s20], [sflag:$0x1] =	stream.indirect_vreg.gather [hbm4b:s3+s2], $0x80, v3, vm0, $0xb8;
	[tilespmem:$0x16C00] =	vst v63  }
0x25d: {  	_ = 	snop  }
0x25e: {  	[tilespmem:s4], [sflag:$0x1] =	stream.indirect_vreg.gather [hbm4b:s5+s2], $0x80, v3, vm1, $0xb8;
	[tilespmem:$0x16C00] =	vst v63  }
0x25f: {  	v3 =	vld [tilespmem:$0x240];
	_ =	sdelay $0x4  }
0x260: {  	v36 =	vshrl.u32 v3, $0x3  }
0x261: {  	v4 =	vmul.u32 $0x18, v36  }
0x262: {  	v3 =	vand.u32 $0x7, v3  }
0x263: {  	v3 =	vor.u32 v3, v4  }
0x264: {  	v4 =	vperm.xlane v3, v0;
	_ =	sdelay $0x1  }
0x265: {  	v4 =	vadd.s32 v1, v4;
	_ =	sdelay $0x1  }
0x266: {  	v3 =	vperm.xlane v3, v2;
	_ =	sdelay $0x1  }
0x267: {  	s1 =	simm.s32 $0x6400;
	v3 =	vadd.s32 v1, v3  }
0x268: {  	[tilespmem:s1], [sflag:$0x1] =	stream.indirect_vreg.gather [hbm4b:s3+s2], $0x80, v4, vm0, $0xb8;
	[tilespmem:$0x16C00] =	vst v63  }
0x269: {  	s4 =	simm.s32 $0x6C00  }
0x26a: {  	[tilespmem:s4], [sflag:$0x1] =	stream.indirect_vreg.gather [hbm4b:s5+s2], $0x80, v4, vm1, $0xb8;
	[tilespmem:$0x16C00] =	vst v63  }
0x26b: {  	s9 =	simm.s32 $0x7000  }
0x26c: {  	[tilespmem:s9], [sflag:$0x1] =	stream.indirect_vreg.gather [hbm4b:s3+s2], $0x80, v3, vm0, $0xb8;
	[tilespmem:$0x16C00] =	vst v63  }
0x26d: {  	_ = 	snop  }
0x26e: {  	[tilespmem:s8], [sflag:$0x1] =	stream.indirect_vreg.gather [hbm4b:s5+s2], $0x80, v3, vm1, $0xb8;
	[tilespmem:$0x16C00] =	vst v63  }
0x26f: {  	v3 =	vld [tilespmem:$0x250];
	_ =	sdelay $0x4  }
0x270: {  	v37 =	vshrl.u32 v3, $0x3  }
0x271: {  	v4 =	vmul.u32 $0x18, v37  }
0x272: {  	v3 =	vand.u32 $0x7, v3  }
0x273: {  	v3 =	vor.u32 v3, v4  }
0x274: {  	v4 =	vperm.xlane v3, v0;
	_ =	sdelay $0x1  }
0x275: {  	v4 =	vadd.s32 v1, v4;
	_ =	sdelay $0x1  }
0x276: {  	v3 =	vperm.xlane v3, v2;
	_ =	sdelay $0x1  }
0x277: {  	s20 =	simm.s32 $0x7C00;
	v3 =	vadd.s32 v1, v3  }
0x278: {  	[tilespmem:s20], [sflag:$0x1] =	stream.indirect_vreg.gather [hbm4b:s3+s2], $0x80, v4, vm0, $0xb8;
	[tilespmem:$0x16C00] =	vst v63  }
0x279: {  	_ = 	snop  }
0x27a: {  	[tilespmem:s30], [sflag:$0x1] =	stream.indirect_vreg.gather [hbm4b:s5+s2], $0x80, v4, vm1, $0xb8;
	[tilespmem:$0x16C00] =	vst v63  }
0x27b: {  	_ = 	snop  }
0x27c: {  	[tilespmem:s13], [sflag:$0x1] =	stream.indirect_vreg.gather [hbm4b:s3+s2], $0x80, v3, vm0, $0xb8;
	[tilespmem:$0x16C00] =	vst v63  }
0x27d: {  	s1 =	simm.s32 $0x9000  }
0x27e: {  	[tilespmem:s1], [sflag:$0x1] =	stream.indirect_vreg.gather [hbm4b:s5+s2], $0x80, v3, vm1, $0xb8;
	[tilespmem:$0x16C00] =	vst v63  }
0x27f: {  	v3 =	vld [tilespmem:$0x260];
	_ =	sdelay $0x4  }
0x280: {  	v38 =	vshrl.u32 v3, $0x3  }
0x281: {  	v4 =	vmul.u32 $0x18, v38  }
0x282: {  	v3 =	vand.u32 $0x7, v3  }
0x283: {  	v3 =	vor.u32 v3, v4  }
0x284: {  	v4 =	vperm.xlane v3, v0;
	_ =	sdelay $0x1  }
0x285: {  	v4 =	vadd.s32 v1, v4;
	_ =	sdelay $0x1  }
0x286: {  	v3 =	vperm.xlane v3, v2;
	_ =	sdelay $0x1  }
0x287: {  	s4 =	simm.s32 $0x9400;
	v3 =	vadd.s32 v1, v3  }
0x288: {  	[tilespmem:s4], [sflag:$0x1] =	stream.indirect_vreg.gather [hbm4b:s3+s2], $0x80, v4, vm0, $0xb8;
	[tilespmem:$0x16C00] =	vst v63  }
0x289: {  	s8 =	simm.s32 $0x9C00  }
0x28a: {  	[tilespmem:s8], [sflag:$0x1] =	stream.indirect_vreg.gather [hbm4b:s5+s2], $0x80, v4, vm1, $0xb8;
	[tilespmem:$0x16C00] =	vst v63  }
0x28b: {  	s9 =	simm.s32 $0xA000  }
0x28c: {  	[tilespmem:s9], [sflag:$0x1] =	stream.indirect_vreg.gather [hbm4b:s3+s2], $0x80, v3, vm0, $0xb8;
	[tilespmem:$0x16C00] =	vst v63  }
0x28d: {  	s20 =	simm.s32 $0xA800  }
0x28e: {  	[tilespmem:s20], [sflag:$0x1] =	stream.indirect_vreg.gather [hbm4b:s5+s2], $0x80, v3, vm1, $0xb8;
	[tilespmem:$0x16C00] =	vst v63  }
0x28f: {  	v3 =	vld.msk [tilespmem:$0x270], $0xff;
	_ =	sdelay $0x4  }
0x290: {  	v39 =	vshrl.u32 v3, $0x3  }
0x291: {  	v4 =	vmul.u32 $0x18, v39  }
0x292: {  	v3 =	vand.u32 $0x7, v3  }
0x293: {  	v3 =	vor.u32 v3, v4  }
0x294: {  	v3 =	vperm.xlane v3, v0;
	_ =	sdelay $0x1  }
0x295: {  	v3 =	vadd.s32 v1, v3;
	_ =	sdelay $0x3  }
0x296: {  	s1 =	simm.s32 $0xAC00  }
0x297: {  	[tilespmem:s1], [sflag:$0x1] =	stream.indirect_vreg.gather [hbm4b:s3+s2], $0x80, v3, vm0, $0xb8;
	[tilespmem:$0x16C00] =	vst v63  }
0x298: {  	s8 =	simm.s32 $0xB400  }
0x299: {  	[tilespmem:s8], [sflag:$0x1] =	stream.indirect_vreg.gather [hbm4b:s5+s2], $0x80, v3, vm1, $0xb8;
	[tilespmem:$0x16C00] =	vst v63  }
0x29a: {  	s4 =	rddreg [dreg:$0x6];
	s9 =	simm.s32 $0xB800  }
0x29b: {  	[hbm4b:s4+s2] =	stream.linear.scatter [tilespmem:s9], [sflag:$0x2], $0xB400, $0x38;
	[tilespmem:$0x16C00] =	vst v63  }
0x29c: {  	_ =	swait.ge [sflag:s12], $0xB400  }
0x29d: {  	[sflag:s12] =	ssyncset.done $0x0  }
0x29e: {  	[sflag:s12] =	ssyncadd.s32 $0xFFFF4C00  }
0x29f: {  	_ =	swait.ge [sflag:s19], $0xB400  }
0x2a0: {  	[sflag:s19] =	ssyncset.done $0x0  }
0x2a1: {  	[sflag:s19] =	ssyncadd.s32 $0xFFFF4C00  }
0x2a2: {  	v3 =	vld [tilespmem:$0x280];
	_ =	sdelay $0x4  }
0x2a3: {  	v40 =	vshrl.u32 v3, $0x3  }
0x2a4: {  	v4 =	vmul.u32 $0x18, v40  }
0x2a5: {  	v3 =	vand.u32 $0x7, v3  }
0x2a6: {  	v3 =	vor.u32 v3, v4  }
0x2a7: {  	v4 =	vperm.xlane v3, v0;
	_ =	sdelay $0x1  }
0x2a8: {  	v4 =	vadd.s32 v1, v4;
	_ =	sdelay $0x1  }
0x2a9: {  	v3 =	vperm.xlane v3, v2;
	_ =	sdelay $0x1  }
0x2aa: {  	v3 =	vadd.s32 v1, v3  }
0x2ab: {  	[tilespmem:s9], [sflag:$0x1] =	stream.indirect_vreg.gather [hbm4b:s3+s2], $0x80, v4, vm0, $0xb8;
	[tilespmem:$0x16C00] =	vst v63  }
0x2ac: {  	s20 =	simm.s32 $0xC000  }
0x2ad: {  	[tilespmem:s20], [sflag:$0x1] =	stream.indirect_vreg.gather [hbm4b:s5+s2], $0x80, v4, vm1, $0xb8;
	[tilespmem:$0x16C00] =	vst v63  }
0x2ae: {  	s1 =	simm.s32 $0xC400  }
0x2af: {  	[tilespmem:s1], [sflag:$0x1] =	stream.indirect_vreg.gather [hbm4b:s3+s2], $0x80, v3, vm0, $0xb8;
	[tilespmem:$0x16C00] =	vst v63  }
0x2b0: {  	s4 =	simm.s32 $0xCC00  }
0x2b1: {  	[tilespmem:s4], [sflag:$0x1] =	stream.indirect_vreg.gather [hbm4b:s5+s2], $0x80, v3, vm1, $0xb8;
	[tilespmem:$0x16C00] =	vst v63  }
0x2b2: {  	v3 =	vld [tilespmem:$0x290];
	_ =	sdelay $0x4  }
0x2b3: {  	v41 =	vshrl.u32 v3, $0x3  }
0x2b4: {  	v4 =	vmul.u32 $0x18, v41  }
0x2b5: {  	v3 =	vand.u32 $0x7, v3  }
0x2b6: {  	v3 =	vor.u32 v3, v4  }
0x2b7: {  	v4 =	vperm.xlane v3, v0;
	_ =	sdelay $0x1  }
0x2b8: {  	v4 =	vadd.s32 v1, v4;
	_ =	sdelay $0x1  }
0x2b9: {  	v3 =	vperm.xlane v3, v2;
	_ =	sdelay $0x1  }
0x2ba: {  	s8 =	simm.s32 $0xD000;
	v3 =	vadd.s32 v1, v3  }
0x2bb: {  	[tilespmem:s8], [sflag:$0x1] =	stream.indirect_vreg.gather [hbm4b:s3+s2], $0x80, v4, vm0, $0xb8;
	[tilespmem:$0x16C00] =	vst v63  }
0x2bc: {  	_ = 	snop  }
0x2bd: {  	[tilespmem:s7], [sflag:$0x1] =	stream.indirect_vreg.gather [hbm4b:s5+s2], $0x80, v4, vm1, $0xb8;
	[tilespmem:$0x16C00] =	vst v63  }
0x2be: {  	s20 =	simm.s32 $0xDC00  }
0x2bf: {  	[tilespmem:s20], [sflag:$0x1] =	stream.indirect_vreg.gather [hbm4b:s3+s2], $0x80, v3, vm0, $0xb8;
	[tilespmem:$0x16C00] =	vst v63  }
0x2c0: {  	s0 =	simm.s32 $0xE400  }
0x2c1: {  	[tilespmem:s0], [sflag:$0x1] =	stream.indirect_vreg.gather [hbm4b:s5+s2], $0x80, v3, vm1, $0xb8;
	[tilespmem:$0x16C00] =	vst v63  }
0x2c2: {  	v3 =	vld [tilespmem:$0x2A0];
	_ =	sdelay $0x4  }
0x2c3: {  	v42 =	vshrl.u32 v3, $0x3  }
0x2c4: {  	v4 =	vmul.u32 $0x18, v42  }
0x2c5: {  	v3 =	vand.u32 $0x7, v3  }
0x2c6: {  	v3 =	vor.u32 v3, v4  }
0x2c7: {  	v4 =	vperm.xlane v3, v0;
	_ =	sdelay $0x1  }
0x2c8: {  	v4 =	vadd.s32 v1, v4;
	_ =	sdelay $0x1  }
0x2c9: {  	v3 =	vperm.xlane v3, v2;
	_ =	sdelay $0x1  }
0x2ca: {  	v3 =	vadd.s32 v1, v3  }
0x2cb: {  	[tilespmem:s10], [sflag:$0x1] =	stream.indirect_vreg.gather [hbm4b:s3+s2], $0x80, v4, vm0, $0xb8;
	[tilespmem:$0x16C00] =	vst v63  }
0x2cc: {  	_ = 	snop  }
0x2cd: {  	[tilespmem:s11], [sflag:$0x1] =	stream.indirect_vreg.gather [hbm4b:s5+s2], $0x80, v4, vm1, $0xb8;
	[tilespmem:$0x16C00] =	vst v63  }
0x2ce: {  	_ = 	snop  }
0x2cf: {  	[tilespmem:s14], [sflag:$0x1] =	stream.indirect_vreg.gather [hbm4b:s3+s2], $0x80, v3, vm0, $0xb8;
	[tilespmem:$0x16C00] =	vst v63  }
0x2d0: {  	s1 =	simm.s32 $0xFC00  }
0x2d1: {  	[tilespmem:s1], [sflag:$0x1] =	stream.indirect_vreg.gather [hbm4b:s5+s2], $0x80, v3, vm1, $0xb8;
	[tilespmem:$0x16C00] =	vst v63  }
0x2d2: {  	v3 =	vld [tilespmem:$0x2B0];
	_ =	sdelay $0x4  }
0x2d3: {  	v43 =	vshrl.u32 v3, $0x3  }
0x2d4: {  	v4 =	vmul.u32 $0x18, v43  }
0x2d5: {  	v3 =	vand.u32 $0x7, v3  }
0x2d6: {  	v3 =	vor.u32 v3, v4  }
0x2d7: {  	v4 =	vperm.xlane v3, v0;
	_ =	sdelay $0x1  }
0x2d8: {  	v4 =	vadd.s32 v1, v4;
	_ =	sdelay $0x1  }
0x2d9: {  	v3 =	vperm.xlane v3, v2;
	_ =	sdelay $0x1  }
0x2da: {  	v3 =	vadd.s32 v1, v3  }
0x2db: {  	[tilespmem:s15], [sflag:$0x1] =	stream.indirect_vreg.gather [hbm4b:s3+s2], $0x80, v4, vm0, $0xb8;
	[tilespmem:$0x16C00] =	vst v63  }
0x2dc: {  	_ = 	snop  }
0x2dd: {  	[tilespmem:s16], [sflag:$0x1] =	stream.indirect_vreg.gather [hbm4b:s5+s2], $0x80, v4, vm1, $0xb8;
	[tilespmem:$0x16C00] =	vst v63  }
0x2de: {  	_ = 	snop  }
0x2df: {  	[tilespmem:s17], [sflag:$0x1] =	stream.indirect_vreg.gather [hbm4b:s3+s2], $0x80, v3, vm0, $0xb8;
	[tilespmem:$0x16C00] =	vst v63  }
0x2e0: {  	s4 =	simm.s32 $0x11400  }
0x2e1: {  	[tilespmem:s4], [sflag:$0x1] =	stream.indirect_vreg.gather [hbm4b:s5+s2], $0x80, v3, vm1, $0xb8;
	[tilespmem:$0x16C00] =	vst v63  }
0x2e2: {  	v3 =	vld [tilespmem:$0x2C0];
	_ =	sdelay $0x4  }
0x2e3: {  	v44 =	vshrl.u32 v3, $0x3  }
0x2e4: {  	v4 =	vmul.u32 $0x18, v44  }
0x2e5: {  	v3 =	vand.u32 $0x7, v3  }
0x2e6: {  	v3 =	vor.u32 v3, v4  }
0x2e7: {  	v4 =	vperm.xlane v3, v0;
	_ =	sdelay $0x1  }
0x2e8: {  	v4 =	vadd.s32 v1, v4;
	_ =	sdelay $0x1  }
0x2e9: {  	v3 =	vperm.xlane v3, v2;
	_ =	sdelay $0x1  }
0x2ea: {  	v3 =	vadd.s32 v1, v3  }
0x2eb: {  	[tilespmem:s18], [sflag:$0x1] =	stream.indirect_vreg.gather [hbm4b:s3+s2], $0x80, v4, vm0, $0xb8;
	[tilespmem:$0x16C00] =	vst v63  }
0x2ec: {  	_ = 	snop  }
0x2ed: {  	[tilespmem:s21], [sflag:$0x1] =	stream.indirect_vreg.gather [hbm4b:s5+s2], $0x80, v4, vm1, $0xb8;
	[tilespmem:$0x16C00] =	vst v63  }
0x2ee: {  	_ = 	snop  }
0x2ef: {  	[tilespmem:s22], [sflag:$0x1] =	stream.indirect_vreg.gather [hbm4b:s3+s2], $0x80, v3, vm0, $0xb8;
	[tilespmem:$0x16C00] =	vst v63  }
0x2f0: {  	s22 =	simm.s32 $0x12C00  }
0x2f1: {  	[tilespmem:s22], [sflag:$0x1] =	stream.indirect_vreg.gather [hbm4b:s5+s2], $0x80, v3, vm1, $0xb8;
	[tilespmem:$0x16C00] =	vst v63  }
0x2f2: {  	v3 =	vld [tilespmem:$0x2D0];
	_ =	sdelay $0x4  }
0x2f3: {  	v45 =	vshrl.u32 v3, $0x3  }
0x2f4: {  	v4 =	vmul.u32 $0x18, v45  }
0x2f5: {  	v3 =	vand.u32 $0x7, v3  }
0x2f6: {  	v3 =	vor.u32 v3, v4  }
0x2f7: {  	v4 =	vperm.xlane v3, v0;
	_ =	sdelay $0x1  }
0x2f8: {  	v4 =	vadd.s32 v1, v4;
	_ =	sdelay $0x1  }
0x2f9: {  	v3 =	vperm.xlane v3, v2;
	_ =	sdelay $0x1  }
0x2fa: {  	v3 =	vadd.s32 v1, v3  }
0x2fb: {  	[tilespmem:s23], [sflag:$0x1] =	stream.indirect_vreg.gather [hbm4b:s3+s2], $0x80, v4, vm0, $0xb8;
	[tilespmem:$0x16C00] =	vst v63  }
0x2fc: {  	_ = 	snop  }
0x2fd: {  	[tilespmem:s24], [sflag:$0x1] =	stream.indirect_vreg.gather [hbm4b:s5+s2], $0x80, v4, vm1, $0xb8;
	[tilespmem:$0x16C00] =	vst v63  }
0x2fe: {  	_ = 	snop  }
0x2ff: {  	[tilespmem:s25], [sflag:$0x1] =	stream.indirect_vreg.gather [hbm4b:s3+s2], $0x80, v3, vm0, $0xb8;
	[tilespmem:$0x16C00] =	vst v63  }
0x300: {  	s25 =	simm.s32 $0x14400  }
0x301: {  	[tilespmem:s25], [sflag:$0x1] =	stream.indirect_vreg.gather [hbm4b:s5+s2], $0x80, v3, vm1, $0xb8;
	[tilespmem:$0x16C00] =	vst v63  }
0x302: {  	v3 =	vld [tilespmem:$0x2E0];
	_ =	sdelay $0x4  }
0x303: {  	v46 =	vshrl.u32 v3, $0x3  }
0x304: {  	v4 =	vmul.u32 $0x18, v46  }
0x305: {  	v3 =	vand.u32 $0x7, v3  }
0x306: {  	v3 =	vor.u32 v3, v4  }
0x307: {  	v4 =	vperm.xlane v3, v0;
	_ =	sdelay $0x1  }
0x308: {  	v4 =	vadd.s32 v1, v4;
	_ =	sdelay $0x1  }
0x309: {  	v3 =	vperm.xlane v3, v2;
	_ =	sdelay $0x1  }
0x30a: {  	v3 =	vadd.s32 v1, v3  }
0x30b: {  	[tilespmem:s26], [sflag:$0x1] =	stream.indirect_vreg.gather [hbm4b:s3+s2], $0x80, v4, vm0, $0xb8;
	[tilespmem:$0x16C00] =	vst v63  }
0x30c: {  	_ = 	snop  }
0x30d: {  	[tilespmem:s28], [sflag:$0x1] =	stream.indirect_vreg.gather [hbm4b:s5+s2], $0x80, v4, vm1, $0xb8;
	[tilespmem:$0x16C00] =	vst v63  }
0x30e: {  	_ = 	snop  }
0x30f: {  	[tilespmem:s29], [sflag:$0x1] =	stream.indirect_vreg.gather [hbm4b:s3+s2], $0x80, v3, vm0, $0xb8;
	[tilespmem:$0x16C00] =	vst v63  }
0x310: {  	_ = 	snop  }
0x311: {  	[tilespmem:s31], [sflag:$0x1] =	stream.indirect_vreg.gather [hbm4b:s5+s2], $0x80, v3, vm1, $0xb8;
	[tilespmem:$0x16C00] =	vst v63  }
0x312: {  	v3 =	vld.msk [tilespmem:$0x2F0], $0xff;
	_ =	sdelay $0x4  }
0x313: {  	v47 =	vshrl.u32 v3, $0x3  }
0x314: {  	v4 =	vmul.u32 $0x18, v47  }
0x315: {  	v3 =	vand.u32 $0x7, v3  }
0x316: {  	v3 =	vor.u32 v3, v4  }
0x317: {  	v3 =	vperm.xlane v3, v0;
	_ =	sdelay $0x1  }
0x318: {  	v3 =	vadd.s32 v1, v3;
	_ =	sdelay $0x3  }
0x319: {  	s7 =	simm.s32 $0x16000  }
0x31a: {  	[tilespmem:s7], [sflag:$0x1] =	stream.indirect_vreg.gather [hbm4b:s3+s2], $0x80, v3, vm0, $0xb8;
	[tilespmem:$0x16C00] =	vst v63  }
0x31b: {  	s8 =	simm.s32 $0x16800  }
0x31c: {  	[tilespmem:s8], [sflag:$0x1] =	stream.indirect_vreg.gather [hbm4b:s5+s2], $0x80, v3, vm1, $0xb8;
	[tilespmem:$0x16C00] =	vst v63  }
0x31d: {  	s20 =	rddreg [dreg:$0x7];
	s31 =	simm.s32 $0x400  }
0x31e: {  	[hbm4b:s20+s2] =	stream.linear.scatter [tilespmem:s31], [sflag:$0x2], $0xB400, $0x38;
	[tilespmem:$0x16C00] =	vst v63  }
0x31f: {  	_ =	swait.ge [sflag:s12], $0xB400  }
0x320: {  	[sflag:s12] =	ssyncset.done $0x0  }
0x321: {  	[sflag:s12] =	ssyncadd.s32 $0xFFFF4C00  }
0x322: {  	_ =	swait.ge [sflag:s19], $0xB400  }
0x323: {  	[sflag:s19] =	ssyncset.done $0x0  }
0x324: {  	[sflag:s19] =	ssyncadd.s32 $0xFFFF4C00  }
0x325: {  	v3 =	vld [tilespmem:$0x300];
	_ =	sdelay $0x4  }
0x326: {  	v48 =	vshrl.u32 v3, $0x3  }
0x327: {  	v4 =	vmul.u32 $0x18, v48  }
0x328: {  	v3 =	vand.u32 $0x7, v3  }
0x329: {  	v3 =	vor.u32 v3, v4  }
0x32a: {  	v4 =	vperm.xlane v3, v0;
	_ =	sdelay $0x1  }
0x32b: {  	v4 =	vadd.s32 v1, v4;
	_ =	sdelay $0x1  }
0x32c: {  	v3 =	vperm.xlane v3, v2;
	_ =	sdelay $0x1  }
0x32d: {  	v3 =	vadd.s32 v1, v3  }
0x32e: {  	[tilespmem:s31], [sflag:$0x1] =	stream.indirect_vreg.gather [hbm4b:s3+s2], $0x80, v4, vm0, $0xb8;
	[tilespmem:$0x16C00] =	vst v63  }
0x32f: {  	s20 =	simm.s32 $0xC00  }
0x330: {  	[tilespmem:s20], [sflag:$0x1] =	stream.indirect_vreg.gather [hbm4b:s5+s2], $0x80, v4, vm1, $0xb8;
	[tilespmem:$0x16C00] =	vst v63  }
0x331: {  	s20 =	simm.s32 $0x1000  }
0x332: {  	[tilespmem:s20], [sflag:$0x1] =	stream.indirect_vreg.gather [hbm4b:s3+s2], $0x80, v3, vm0, $0xb8;
	[tilespmem:$0x16C00] =	vst v63  }
0x333: {  	s20 =	simm.s32 $0x1800  }
0x334: {  	[tilespmem:s20], [sflag:$0x1] =	stream.indirect_vreg.gather [hbm4b:s5+s2], $0x80, v3, vm1, $0xb8;
	[tilespmem:$0x16C00] =	vst v63  }
0x335: {  	v3 =	vld [tilespmem:$0x310];
	_ =	sdelay $0x4  }
0x336: {  	v49 =	vshrl.u32 v3, $0x3  }
0x337: {  	v4 =	vmul.u32 $0x18, v49  }
0x338: {  	v3 =	vand.u32 $0x7, v3  }
0x339: {  	v3 =	vor.u32 v3, v4  }
0x33a: {  	v4 =	vperm.xlane v3, v0;
	_ =	sdelay $0x1  }
0x33b: {  	v4 =	vadd.s32 v1, v4;
	_ =	sdelay $0x1  }
0x33c: {  	v3 =	vperm.xlane v3, v2;
	_ =	sdelay $0x1  }
0x33d: {  	s20 =	simm.s32 $0x1C00;
	v3 =	vadd.s32 v1, v3  }
0x33e: {  	[tilespmem:s20], [sflag:$0x1] =	stream.indirect_vreg.gather [hbm4b:s3+s2], $0x80, v4, vm0, $0xb8;
	[tilespmem:$0x16C00] =	vst v63  }
0x33f: {  	s20 =	simm.s32 $0x2400  }
0x340: {  	[tilespmem:s20], [sflag:$0x1] =	stream.indirect_vreg.gather [hbm4b:s5+s2], $0x80, v4, vm1, $0xb8;
	[tilespmem:$0x16C00] =	vst v63  }
0x341: {  	s20 =	simm.s32 $0x2800  }
0x342: {  	[tilespmem:s20], [sflag:$0x1] =	stream.indirect_vreg.gather [hbm4b:s3+s2], $0x80, v3, vm0, $0xb8;
	[tilespmem:$0x16C00] =	vst v63  }
0x343: {  	s20 =	simm.s32 $0x3000  }
0x344: {  	[tilespmem:s20], [sflag:$0x1] =	stream.indirect_vreg.gather [hbm4b:s5+s2], $0x80, v3, vm1, $0xb8;
	[tilespmem:$0x16C00] =	vst v63  }
0x345: {  	v3 =	vld [tilespmem:$0x320];
	_ =	sdelay $0x4  }
0x346: {  	v50 =	vshrl.u32 v3, $0x3  }
0x347: {  	v4 =	vmul.u32 $0x18, v50  }
0x348: {  	v3 =	vand.u32 $0x7, v3  }
0x349: {  	v3 =	vor.u32 v3, v4  }
0x34a: {  	v4 =	vperm.xlane v3, v0;
	_ =	sdelay $0x1  }
0x34b: {  	v4 =	vadd.s32 v1, v4;
	_ =	sdelay $0x1  }
0x34c: {  	v3 =	vperm.xlane v3, v2;
	_ =	sdelay $0x1  }
0x34d: {  	s20 =	simm.s32 $0x3400;
	v3 =	vadd.s32 v1, v3  }
0x34e: {  	[tilespmem:s20], [sflag:$0x1] =	stream.indirect_vreg.gather [hbm4b:s3+s2], $0x80, v4, vm0, $0xb8;
	[tilespmem:$0x16C00] =	vst v63  }
0x34f: {  	s20 =	simm.s32 $0x3C00  }
0x350: {  	[tilespmem:s20], [sflag:$0x1] =	stream.indirect_vreg.gather [hbm4b:s5+s2], $0x80, v4, vm1, $0xb8;
	[tilespmem:$0x16C00] =	vst v63  }
0x351: {  	s20 =	simm.s32 $0x4000  }
0x352: {  	[tilespmem:s20], [sflag:$0x1] =	stream.indirect_vreg.gather [hbm4b:s3+s2], $0x80, v3, vm0, $0xb8;
	[tilespmem:$0x16C00] =	vst v63  }
0x353: {  	s20 =	simm.s32 $0x4800  }
0x354: {  	[tilespmem:s20], [sflag:$0x1] =	stream.indirect_vreg.gather [hbm4b:s5+s2], $0x80, v3, vm1, $0xb8;
	[tilespmem:$0x16C00] =	vst v63  }
0x355: {  	v3 =	vld [tilespmem:$0x330];
	_ =	sdelay $0x4  }
0x356: {  	v51 =	vshrl.u32 v3, $0x3  }
0x357: {  	v4 =	vmul.u32 $0x18, v51  }
0x358: {  	v3 =	vand.u32 $0x7, v3  }
0x359: {  	v3 =	vor.u32 v3, v4  }
0x35a: {  	v4 =	vperm.xlane v3, v0;
	_ =	sdelay $0x1  }
0x35b: {  	v4 =	vadd.s32 v1, v4;
	_ =	sdelay $0x1  }
0x35c: {  	v3 =	vperm.xlane v3, v2;
	_ =	sdelay $0x1  }
0x35d: {  	s20 =	simm.s32 $0x4C00;
	v3 =	vadd.s32 v1, v3  }
0x35e: {  	[tilespmem:s20], [sflag:$0x1] =	stream.indirect_vreg.gather [hbm4b:s3+s2], $0x80, v4, vm0, $0xb8;
	[tilespmem:$0x16C00] =	vst v63  }
0x35f: {  	s20 =	simm.s32 $0x5400  }
0x360: {  	[tilespmem:s20], [sflag:$0x1] =	stream.indirect_vreg.gather [hbm4b:s5+s2], $0x80, v4, vm1, $0xb8;
	[tilespmem:$0x16C00] =	vst v63  }
0x361: {  	s20 =	simm.s32 $0x5800  }
0x362: {  	[tilespmem:s20], [sflag:$0x1] =	stream.indirect_vreg.gather [hbm4b:s3+s2], $0x80, v3, vm0, $0xb8;
	[tilespmem:$0x16C00] =	vst v63  }
0x363: {  	s20 =	simm.s32 $0x6000  }
0x364: {  	[tilespmem:s20], [sflag:$0x1] =	stream.indirect_vreg.gather [hbm4b:s5+s2], $0x80, v3, vm1, $0xb8;
	[tilespmem:$0x16C00] =	vst v63  }
0x365: {  	v3 =	vld [tilespmem:$0x340];
	_ =	sdelay $0x4  }
0x366: {  	v52 =	vshrl.u32 v3, $0x3  }
0x367: {  	v4 =	vmul.u32 $0x18, v52  }
0x368: {  	v3 =	vand.u32 $0x7, v3  }
0x369: {  	v3 =	vor.u32 v3, v4  }
0x36a: {  	v4 =	vperm.xlane v3, v0;
	_ =	sdelay $0x1  }
0x36b: {  	v4 =	vadd.s32 v1, v4;
	_ =	sdelay $0x1  }
0x36c: {  	v3 =	vperm.xlane v3, v2;
	_ =	sdelay $0x1  }
0x36d: {  	s20 =	simm.s32 $0x6400;
	v3 =	vadd.s32 v1, v3  }
0x36e: {  	[tilespmem:s20], [sflag:$0x1] =	stream.indirect_vreg.gather [hbm4b:s3+s2], $0x80, v4, vm0, $0xb8;
	[tilespmem:$0x16C00] =	vst v63  }
0x36f: {  	s20 =	simm.s32 $0x6C00  }
0x370: {  	[tilespmem:s20], [sflag:$0x1] =	stream.indirect_vreg.gather [hbm4b:s5+s2], $0x80, v4, vm1, $0xb8;
	[tilespmem:$0x16C00] =	vst v63  }
0x371: {  	s20 =	simm.s32 $0x7000  }
0x372: {  	[tilespmem:s20], [sflag:$0x1] =	stream.indirect_vreg.gather [hbm4b:s3+s2], $0x80, v3, vm0, $0xb8;
	[tilespmem:$0x16C00] =	vst v63  }
0x373: {  	s20 =	simm.s32 $0x7800  }
0x374: {  	[tilespmem:s20], [sflag:$0x1] =	stream.indirect_vreg.gather [hbm4b:s5+s2], $0x80, v3, vm1, $0xb8;
	[tilespmem:$0x16C00] =	vst v63  }
0x375: {  	v3 =	vld [tilespmem:$0x350];
	_ =	sdelay $0x4  }
0x376: {  	v53 =	vshrl.u32 v3, $0x3  }
0x377: {  	v4 =	vmul.u32 $0x18, v53  }
0x378: {  	v3 =	vand.u32 $0x7, v3  }
0x379: {  	v3 =	vor.u32 v3, v4  }
0x37a: {  	v4 =	vperm.xlane v3, v0;
	_ =	sdelay $0x1  }
0x37b: {  	v4 =	vadd.s32 v1, v4;
	_ =	sdelay $0x1  }
0x37c: {  	v3 =	vperm.xlane v3, v2;
	_ =	sdelay $0x1  }
0x37d: {  	s20 =	simm.s32 $0x7C00;
	v3 =	vadd.s32 v1, v3  }
0x37e: {  	[tilespmem:s20], [sflag:$0x1] =	stream.indirect_vreg.gather [hbm4b:s3+s2], $0x80, v4, vm0, $0xb8;
	[tilespmem:$0x16C00] =	vst v63  }
0x37f: {  	s30 =	simm.s32 $0x8400  }
0x380: {  	[tilespmem:s30], [sflag:$0x1] =	stream.indirect_vreg.gather [hbm4b:s5+s2], $0x80, v4, vm1, $0xb8;
	[tilespmem:$0x16C00] =	vst v63  }
0x381: {  	s13 =	simm.s32 $0x8800  }
0x382: {  	[tilespmem:s13], [sflag:$0x1] =	stream.indirect_vreg.gather [hbm4b:s3+s2], $0x80, v3, vm0, $0xb8;
	[tilespmem:$0x16C00] =	vst v63  }
0x383: {  	s30 =	simm.s32 $0x9000  }
0x384: {  	[tilespmem:s30], [sflag:$0x1] =	stream.indirect_vreg.gather [hbm4b:s5+s2], $0x80, v3, vm1, $0xb8;
	[tilespmem:$0x16C00] =	vst v63  }
0x385: {  	v3 =	vld [tilespmem:$0x360];
	_ =	sdelay $0x4  }
0x386: {  	v54 =	vshrl.u32 v3, $0x3  }
0x387: {  	v4 =	vmul.u32 $0x18, v54  }
0x388: {  	v3 =	vand.u32 $0x7, v3  }
0x389: {  	v3 =	vor.u32 v3, v4  }
0x38a: {  	v4 =	vperm.xlane v3, v0;
	_ =	sdelay $0x1  }
0x38b: {  	v4 =	vadd.s32 v1, v4;
	_ =	sdelay $0x1  }
0x38c: {  	v3 =	vperm.xlane v3, v2;
	_ =	sdelay $0x1  }
0x38d: {  	s20 =	simm.s32 $0x9400;
	v3 =	vadd.s32 v1, v3  }
0x38e: {  	[tilespmem:s20], [sflag:$0x1] =	stream.indirect_vreg.gather [hbm4b:s3+s2], $0x80, v4, vm0, $0xb8;
	[tilespmem:$0x16C00] =	vst v63  }
0x38f: {  	s30 =	simm.s32 $0x9C00  }
0x390: {  	[tilespmem:s30], [sflag:$0x1] =	stream.indirect_vreg.gather [hbm4b:s5+s2], $0x80, v4, vm1, $0xb8;
	[tilespmem:$0x16C00] =	vst v63  }
0x391: {  	s20 =	simm.s32 $0xA000  }
0x392: {  	[tilespmem:s20], [sflag:$0x1] =	stream.indirect_vreg.gather [hbm4b:s3+s2], $0x80, v3, vm0, $0xb8;
	[tilespmem:$0x16C00] =	vst v63  }
0x393: {  	s30 =	simm.s32 $0xA800  }
0x394: {  	[tilespmem:s30], [sflag:$0x1] =	stream.indirect_vreg.gather [hbm4b:s5+s2], $0x80, v3, vm1, $0xb8;
	[tilespmem:$0x16C00] =	vst v63  }
0x395: {  	v3 =	vld.msk [tilespmem:$0x370], $0xff;
	_ =	sdelay $0x4  }
0x396: {  	v55 =	vshrl.u32 v3, $0x3  }
0x397: {  	v4 =	vmul.u32 $0x18, v55  }
0x398: {  	v3 =	vand.u32 $0x7, v3  }
0x399: {  	v3 =	vor.u32 v3, v4  }
0x39a: {  	v3 =	vperm.xlane v3, v0;
	_ =	sdelay $0x1  }
0x39b: {  	v3 =	vadd.s32 v1, v3;
	_ =	sdelay $0x3  }
0x39c: {  	s20 =	simm.s32 $0xAC00  }
0x39d: {  	[tilespmem:s20], [sflag:$0x1] =	stream.indirect_vreg.gather [hbm4b:s3+s2], $0x80, v3, vm0, $0xb8;
	[tilespmem:$0x16C00] =	vst v63  }
0x39e: {  	s30 =	simm.s32 $0xB400  }
0x39f: {  	[tilespmem:s30], [sflag:$0x1] =	stream.indirect_vreg.gather [hbm4b:s5+s2], $0x80, v3, vm1, $0xb8;
	[tilespmem:$0x16C00] =	vst v63  }
0x3a0: {  	s9 =	simm.s32 $0xB800;
	s20 =	rddreg [dreg:$0x8]  }
0x3a1: {  	[hbm4b:s20+s2] =	stream.linear.scatter [tilespmem:s9], [sflag:$0x2], $0xB400, $0x38;
	[tilespmem:$0x16C00] =	vst v63  }
0x3a2: {  	_ =	swait.ge [sflag:s12], $0xB400  }
0x3a3: {  	[sflag:s12] =	ssyncset.done $0x0  }
0x3a4: {  	[sflag:s12] =	ssyncadd.s32 $0xFFFF4C00  }
0x3a5: {  	_ =	swait.ge [sflag:s19], $0xB400  }
0x3a6: {  	[sflag:s19] =	ssyncset.done $0x0  }
0x3a7: {  	[sflag:s19] =	ssyncadd.s32 $0xFFFF4C00  }
0x3a8: {  	v3 =	vld [tilespmem:$0x380];
	_ =	sdelay $0x4  }
0x3a9: {  	v56 =	vshrl.u32 v3, $0x3  }
0x3aa: {  	v4 =	vmul.u32 $0x18, v56  }
0x3ab: {  	v3 =	vand.u32 $0x7, v3  }
0x3ac: {  	v3 =	vor.u32 v3, v4  }
0x3ad: {  	v4 =	vperm.xlane v3, v0;
	_ =	sdelay $0x1  }
0x3ae: {  	v4 =	vadd.s32 v1, v4;
	_ =	sdelay $0x1  }
0x3af: {  	v3 =	vperm.xlane v3, v2;
	_ =	sdelay $0x1  }
0x3b0: {  	v3 =	vadd.s32 v1, v3  }
0x3b1: {  	[tilespmem:s9], [sflag:$0x1] =	stream.indirect_vreg.gather [hbm4b:s3+s2], $0x80, v4, vm0, $0xb8;
	[tilespmem:$0x16C00] =	vst v63  }
0x3b2: {  	s20 =	simm.s32 $0xC000  }
0x3b3: {  	[tilespmem:s20], [sflag:$0x1] =	stream.indirect_vreg.gather [hbm4b:s5+s2], $0x80, v4, vm1, $0xb8;
	[tilespmem:$0x16C00] =	vst v63  }
0x3b4: {  	s30 =	simm.s32 $0xC400  }
0x3b5: {  	[tilespmem:s30], [sflag:$0x1] =	stream.indirect_vreg.gather [hbm4b:s3+s2], $0x80, v3, vm0, $0xb8;
	[tilespmem:$0x16C00] =	vst v63  }
0x3b6: {  	s20 =	simm.s32 $0xCC00  }
0x3b7: {  	[tilespmem:s20], [sflag:$0x1] =	stream.indirect_vreg.gather [hbm4b:s5+s2], $0x80, v3, vm1, $0xb8;
	[tilespmem:$0x16C00] =	vst v63  }
0x3b8: {  	v3 =	vld [tilespmem:$0x390];
	_ =	sdelay $0x4  }
0x3b9: {  	v57 =	vshrl.u32 v3, $0x3  }
0x3ba: {  	v4 =	vmul.u32 $0x18, v57  }
0x3bb: {  	v3 =	vand.u32 $0x7, v3  }
0x3bc: {  	v3 =	vor.u32 v3, v4  }
0x3bd: {  	v4 =	vperm.xlane v3, v0;
	_ =	sdelay $0x1  }
0x3be: {  	v4 =	vadd.s32 v1, v4;
	_ =	sdelay $0x1  }
0x3bf: {  	v3 =	vperm.xlane v3, v2;
	_ =	sdelay $0x1  }
0x3c0: {  	s30 =	simm.s32 $0xD000;
	v3 =	vadd.s32 v1, v3  }
0x3c1: {  	[tilespmem:s30], [sflag:$0x1] =	stream.indirect_vreg.gather [hbm4b:s3+s2], $0x80, v4, vm0, $0xb8;
	[tilespmem:$0x16C00] =	vst v63  }
0x3c2: {  	s20 =	simm.s32 $0xD800  }
0x3c3: {  	[tilespmem:s20], [sflag:$0x1] =	stream.indirect_vreg.gather [hbm4b:s5+s2], $0x80, v4, vm1, $0xb8;
	[tilespmem:$0x16C00] =	vst v63  }
0x3c4: {  	s30 =	simm.s32 $0xDC00  }
0x3c5: {  	[tilespmem:s30], [sflag:$0x1] =	stream.indirect_vreg.gather [hbm4b:s3+s2], $0x80, v3, vm0, $0xb8;
	[tilespmem:$0x16C00] =	vst v63  }
0x3c6: {  	_ = 	snop  }
0x3c7: {  	[tilespmem:s0], [sflag:$0x1] =	stream.indirect_vreg.gather [hbm4b:s5+s2], $0x80, v3, vm1, $0xb8;
	[tilespmem:$0x16C00] =	vst v63  }
0x3c8: {  	v3 =	vld [tilespmem:$0x3A0];
	_ =	sdelay $0x4  }
0x3c9: {  	v58 =	vshrl.u32 v3, $0x3  }
0x3ca: {  	v4 =	vmul.u32 $0x18, v58  }
0x3cb: {  	v3 =	vand.u32 $0x7, v3  }
0x3cc: {  	v3 =	vor.u32 v3, v4  }
0x3cd: {  	v4 =	vperm.xlane v3, v0;
	_ =	sdelay $0x1  }
0x3ce: {  	v4 =	vadd.s32 v1, v4;
	_ =	sdelay $0x1  }
0x3cf: {  	v3 =	vperm.xlane v3, v2;
	_ =	sdelay $0x1  }
0x3d0: {  	s20 =	simm.s32 $0xE800;
	v3 =	vadd.s32 v1, v3  }
0x3d1: {  	[tilespmem:s20], [sflag:$0x1] =	stream.indirect_vreg.gather [hbm4b:s3+s2], $0x80, v4, vm0, $0xb8;
	[tilespmem:$0x16C00] =	vst v63  }
0x3d2: {  	s10 =	simm.s32 $0xF000  }
0x3d3: {  	[tilespmem:s10], [sflag:$0x1] =	stream.indirect_vreg.gather [hbm4b:s5+s2], $0x80, v4, vm1, $0xb8;
	[tilespmem:$0x16C00] =	vst v63  }
0x3d4: {  	s11 =	simm.s32 $0xF400  }
0x3d5: {  	[tilespmem:s11], [sflag:$0x1] =	stream.indirect_vreg.gather [hbm4b:s3+s2], $0x80, v3, vm0, $0xb8;
	[tilespmem:$0x16C00] =	vst v63  }
0x3d6: {  	_ = 	snop  }
0x3d7: {  	[tilespmem:s1], [sflag:$0x1] =	stream.indirect_vreg.gather [hbm4b:s5+s2], $0x80, v3, vm1, $0xb8;
	[tilespmem:$0x16C00] =	vst v63  }
0x3d8: {  	v3 =	vld [tilespmem:$0x3B0];
	_ =	sdelay $0x4  }
0x3d9: {  	v59 =	vshrl.u32 v3, $0x3  }
0x3da: {  	v4 =	vmul.u32 $0x18, v59  }
0x3db: {  	v3 =	vand.u32 $0x7, v3  }
0x3dc: {  	v3 =	vor.u32 v3, v4  }
0x3dd: {  	v4 =	vperm.xlane v3, v0;
	_ =	sdelay $0x1  }
0x3de: {  	v4 =	vadd.s32 v1, v4;
	_ =	sdelay $0x1  }
0x3df: {  	v3 =	vperm.xlane v3, v2;
	_ =	sdelay $0x1  }
0x3e0: {  	s14 =	simm.s32 $0x10000;
	v3 =	vadd.s32 v1, v3  }
0x3e1: {  	[tilespmem:s14], [sflag:$0x1] =	stream.indirect_vreg.gather [hbm4b:s3+s2], $0x80, v4, vm0, $0xb8;
	[tilespmem:$0x16C00] =	vst v63  }
0x3e2: {  	s15 =	simm.s32 $0x10800  }
0x3e3: {  	[tilespmem:s15], [sflag:$0x1] =	stream.indirect_vreg.gather [hbm4b:s5+s2], $0x80, v4, vm1, $0xb8;
	[tilespmem:$0x16C00] =	vst v63  }
0x3e4: {  	s16 =	simm.s32 $0x10C00  }
0x3e5: {  	[tilespmem:s16], [sflag:$0x1] =	stream.indirect_vreg.gather [hbm4b:s3+s2], $0x80, v3, vm0, $0xb8;
	[tilespmem:$0x16C00] =	vst v63  }
0x3e6: {  	_ = 	snop  }
0x3e7: {  	[tilespmem:s4], [sflag:$0x1] =	stream.indirect_vreg.gather [hbm4b:s5+s2], $0x80, v3, vm1, $0xb8;
	[tilespmem:$0x16C00] =	vst v63  }
0x3e8: {  	v3 =	vld [tilespmem:$0x3C0];
	_ =	sdelay $0x4  }
0x3e9: {  	v60 =	vshrl.u32 v3, $0x3  }
0x3ea: {  	v4 =	vmul.u32 $0x18, v60  }
0x3eb: {  	v3 =	vand.u32 $0x7, v3  }
0x3ec: {  	v3 =	vor.u32 v3, v4  }
0x3ed: {  	v4 =	vperm.xlane v3, v0;
	_ =	sdelay $0x1  }
0x3ee: {  	v4 =	vadd.s32 v1, v4;
	_ =	sdelay $0x1  }
0x3ef: {  	v3 =	vperm.xlane v3, v2;
	_ =	sdelay $0x1  }
0x3f0: {  	s17 =	simm.s32 $0x11800;
	v3 =	vadd.s32 v1, v3  }
0x3f1: {  	[tilespmem:s17], [sflag:$0x1] =	stream.indirect_vreg.gather [hbm4b:s3+s2], $0x80, v4, vm0, $0xb8;
	[tilespmem:$0x16C00] =	vst v63  }
0x3f2: {  	s18 =	simm.s32 $0x12000  }
0x3f3: {  	[tilespmem:s18], [sflag:$0x1] =	stream.indirect_vreg.gather [hbm4b:s5+s2], $0x80, v4, vm1, $0xb8;
	[tilespmem:$0x16C00] =	vst v63  }
0x3f4: {  	s21 =	simm.s32 $0x12400  }
0x3f5: {  	[tilespmem:s21], [sflag:$0x1] =	stream.indirect_vreg.gather [hbm4b:s3+s2], $0x80, v3, vm0, $0xb8;
	[tilespmem:$0x16C00] =	vst v63  }
0x3f6: {  	s21 =	simm.s32 $0x12C00  }
0x3f7: {  	[tilespmem:s21], [sflag:$0x1] =	stream.indirect_vreg.gather [hbm4b:s5+s2], $0x80, v3, vm1, $0xb8;
	[tilespmem:$0x16C00] =	vst v63  }
0x3f8: {  	v3 =	vld [tilespmem:$0x3D0];
	_ =	sdelay $0x4  }
0x3f9: {  	v61 =	vshrl.u32 v3, $0x3  }
0x3fa: {  	v4 =	vmul.u32 $0x18, v61  }
0x3fb: {  	v3 =	vand.u32 $0x7, v3  }
0x3fc: {  	v3 =	vor.u32 v3, v4  }
0x3fd: {  	v4 =	vperm.xlane v3, v0;
	_ =	sdelay $0x1  }
0x3fe: {  	v4 =	vadd.s32 v1, v4;
	_ =	sdelay $0x1  }
0x3ff: {  	v3 =	vperm.xlane v3, v2;
	_ =	sdelay $0x1  }
0x400: {  	s22 =	simm.s32 $0x13000;
	v3 =	vadd.s32 v1, v3  }
0x401: {  	[tilespmem:s22], [sflag:$0x1] =	stream.indirect_vreg.gather [hbm4b:s3+s2], $0x80, v4, vm0, $0xb8;
	[tilespmem:$0x16C00] =	vst v63  }
0x402: {  	s23 =	simm.s32 $0x13800  }
0x403: {  	[tilespmem:s23], [sflag:$0x1] =	stream.indirect_vreg.gather [hbm4b:s5+s2], $0x80, v4, vm1, $0xb8;
	[tilespmem:$0x16C00] =	vst v63  }
0x404: {  	s24 =	simm.s32 $0x13C00  }
0x405: {  	[tilespmem:s24], [sflag:$0x1] =	stream.indirect_vreg.gather [hbm4b:s3+s2], $0x80, v3, vm0, $0xb8;
	[tilespmem:$0x16C00] =	vst v63  }
0x406: {  	s24 =	simm.s32 $0x14400  }
0x407: {  	[tilespmem:s24], [sflag:$0x1] =	stream.indirect_vreg.gather [hbm4b:s5+s2], $0x80, v3, vm1, $0xb8;
	[tilespmem:$0x16C00] =	vst v63  }
0x408: {  	v3 =	vld [tilespmem:$0x3E0];
	_ =	sdelay $0x4  }
0x409: {  	v62 =	vshrl.u32 v3, $0x3  }
0x40a: {  	v4 =	vmul.u32 $0x18, v62  }
0x40b: {  	v3 =	vand.u32 $0x7, v3  }
0x40c: {  	v3 =	vor.u32 v3, v4  }
0x40d: {  	v4 =	vperm.xlane v3, v0;
	_ =	sdelay $0x1  }
0x40e: {  	v4 =	vadd.s32 v1, v4;
	_ =	sdelay $0x1  }
0x40f: {  	v3 =	vperm.xlane v3, v2;
	_ =	sdelay $0x1  }
0x410: {  	s25 =	simm.s32 $0x14800;
	v3 =	vadd.s32 v1, v3  }
0x411: {  	[tilespmem:s25], [sflag:$0x1] =	stream.indirect_vreg.gather [hbm4b:s3+s2], $0x80, v4, vm0, $0xb8;
	[tilespmem:$0x16C00] =	vst v63  }
0x412: {  	s26 =	simm.s32 $0x15000  }
0x413: {  	[tilespmem:s26], [sflag:$0x1] =	stream.indirect_vreg.gather [hbm4b:s5+s2], $0x80, v4, vm1, $0xb8;
	[tilespmem:$0x16C00] =	vst v63  }
0x414: {  	s28 =	simm.s32 $0x15400  }
0x415: {  	[tilespmem:s28], [sflag:$0x1] =	stream.indirect_vreg.gather [hbm4b:s3+s2], $0x80, v3, vm0, $0xb8;
	[tilespmem:$0x16C00] =	vst v63  }
0x416: {  	s29 =	simm.s32 $0x15C00  }
0x417: {  	[tilespmem:s29], [sflag:$0x1] =	stream.indirect_vreg.gather [hbm4b:s5+s2], $0x80, v3, vm1, $0xb8;
	[tilespmem:$0x16C00] =	vst v63  }
0x418: {  	v3 =	vld.msk [tilespmem:$0x3F0], $0xff;
	_ =	sdelay $0x4  }
0x419: {  	v63 =	vshrl.u32 v3, $0x3  }
0x41a: {  	v4 =	vmul.u32 $0x18, v63  }
0x41b: {  	v3 =	vand.u32 $0x7, v3  }
0x41c: {  	v3 =	vor.u32 v3, v4  }
0x41d: {  	v3 =	vperm.xlane v3, v0;
	_ =	sdelay $0x1  }
0x41e: {  	v3 =	vadd.s32 v1, v3;
	_ =	sdelay $0x4  }
0x41f: {  	[tilespmem:s7], [sflag:$0x1] =	stream.indirect_vreg.gather [hbm4b:s3+s2], $0x80, v3, vm0, $0xb8;
	[tilespmem:$0x16C00] =	vst v63  }
0x420: {  	_ = 	snop  }
0x421: {  	[tilespmem:s8], [sflag:$0x1] =	stream.indirect_vreg.gather [hbm4b:s5+s2], $0x80, v3, vm1, $0xb8;
	[tilespmem:$0x16C00] =	vst v63  }
0x422: {  	s31 =	simm.s32 $0x400;
	s30 =	rddreg [dreg:$0x9]  }
0x423: {  	[hbm4b:s30+s2] =	stream.linear.scatter [tilespmem:s31], [sflag:$0x2], $0xB400, $0x38;
	[tilespmem:$0x16C00] =	vst v63  }
0x424: {  	_ =	swait.ge [sflag:s12], $0xB400  }
0x425: {  	[sflag:s12] =	ssyncset.done $0x0  }
0x426: {  	[sflag:s12] =	ssyncadd.s32 $0xFFFF4C00  }
0x427: {  	_ =	swait.ge [sflag:s19], $0xB400  }
0x428: {  	p0 =	sne.s32 s6, $0x1;
	[sflag:s19] =	ssyncset.done $0x0  }
.Ltmp0:
0x429: {  	s31 =	rddreg [dreg:$0xa];
	[sflag:s19] =	ssyncadd.s32 $0xFFFF4C00;
	(pc) =	sbr.rel @p0 .LBB2_1-.Ltmp0, $4  }
0x42a: {  	[hbm4b:s31+s2] =	stream.linear.scatter [tilespmem:s9], [sflag:$0x2], $0xB400, $0x38;
	[tilespmem:$0x16C00] =	vst v63  }
0x42b: {  	_ =	swait.ge [sflag:s19], $0xB400  }
0x42c: {  	[sflag:s19] =	ssyncset.done $0x0  }
0x42d: {  	s6 =	sadd.s32 $0xFFFFFFFF, s6;
	[sflag:s19] =	ssyncadd.s32 $0xFFFF4C00  }
0x42e: {  	_ =	sfence.sel $0x180000  }
0x42f: {  	[bflag:$0x0] =	sbarrier.arrive $0xFFFF  }
0x430: {  	_ =	strace $0x90000047  }
0x431: {  	s0 =	stileid.u32;
	[bflag:$0x2] =	sbarrier.arrive $0xFFFF  }
0x432: {  	p0 =	sne.s32 s0, $0x0;
	s0 =	rddreg [dreg:$0x2]  }
0x433: {  	s0 =	sadd.s32 @!p0 $0x100000, s0  }
0x434: {  	[sflag:s0] =	ssyncadd.tile.s32 @!p0 $0x1;
	_ =	shalt  }
.Lfunc_end2:
_tile_overlayer_lowered:
.L_overlay_start_2:
0x435: {  	(tag) =	ssettag $0x2  }
0x436: {  	s0 =	rddreg [dreg:$0x0];
	s2 =	stileid.u32  }
0x437: {  	s1 =	rddreg [dreg:$0x1];
	p0 =	sne.s32 s2, $0x0  }
0x438: {  	s3 =	rddreg [dreg:$0x2];
	[bflag:$0x3] =	sbarrier.arrive $0xFFFF;
	s2 =	simm.s32 @!p0 $0x1C03  }
0x439: {  	[timem:s3], [sflag:s2] =	dma.local @!p0 [hbm:s0], s1  }
0x43a: {  	s0 =	simm.s32 @!p0 $0x3  }
0x43b: {  	_ =	swait.ge @!p0 [sflag:s0], s1  }
0x43c: {  	s1 =	ssub.s32 @!p0 $0x0, s1;
	[sflag:s0] =	ssyncset.done @!p0 $0x0  }
0x43d: {  	[sflag:s0] =	ssyncadd.s32 @!p0 s1  }
0x43e: {  	[bflag:$0x3] =	sbarrier.arrive $0xFFFF  }
0x43f: {  	_ =	shalt  }

</sc_bundles>
